<compile_context>
chip_gen: v7x
topology: tpu7x:2x2x1
jax: 0.10.2.dev20260603
libtpu: 0.0.44.dev20260713+nightly
codegen_flags: <defaults>
</compile_context>

<pallas_src>
import jax
import jax.numpy as jnp
from jax import lax
from jax.experimental import pallas as pl
from jax.experimental.pallas import tpu as pltpu
from jax.experimental.pallas import tpu_sc as plsc

_NC = 2
_NS = 16
_NW = _NC * _NS

_CHUNK = 128
_N_CHUNKS = 124
_PER_W = _CHUNK * _N_CHUNKS
_B_PAD = _NW * _PER_W

_D = 64
_ROWS_TC = 4000


def _softplus(x):
  return jnp.maximum(x, 0.0) + jnp.log1p(jnp.exp(-jnp.abs(x)))



def _atom_tables_body(a_ref, w1a_ref, w1b_ref, o1_ref, o2_ref):
  a = a_ref[...]
  o1_ref[...] = jnp.dot(
      a, w1a_ref[...], preferred_element_type=jnp.float32
  ).astype(jnp.bfloat16)
  o2_ref[...] = jnp.dot(
      a, w1b_ref[...], preferred_element_type=jnp.float32
  ).astype(jnp.bfloat16)


def _glob_table_body(g_ref, wg_ref, b1_ref, o_ref):
  o_ref[...] = (
      jnp.dot(g_ref[...], wg_ref[...], preferred_element_type=jnp.float32)
      + b1_ref[...]
  ).astype(jnp.bfloat16)



_IDX_PER_W = _N_CHUNKS * 3 * _CHUNK


def _sc_gather_body(a1_hbm, a2_hbm, g1_hbm, idx_hbm, out_hbm,
                    idx_v, bufa0, bufb0, bufg0, bufa1, bufb1, bufg1,
                    outb0, outb1, sem_g0, sem_g1, sem_o0, sem_o1):
  wid = lax.axis_index("s") * _NC + lax.axis_index("c")
  pbase0 = wid * (_PER_W // 2)

  pltpu.sync_copy(idx_hbm.at[wid], idx_v)

  sets = (
      (bufa0, bufb0, bufg0, outb0, sem_g0, sem_o0),
      (bufa1, bufb1, bufg1, outb1, sem_g1, sem_o1),
  )

  def issue(s, j):
    ba, bb, bg, _, sg, _ = sets[s]
    off = j * (3 * _CHUNK)
    pltpu.async_copy(a1_hbm.at[idx_v.at[pl.ds(off, _CHUNK)]], ba, sg)
    pltpu.async_copy(a2_hbm.at[idx_v.at[pl.ds(off + _CHUNK, _CHUNK)]], bb, sg)
    pltpu.async_copy(g1_hbm.at[idx_v.at[pl.ds(off + 2 * _CHUNK, _CHUNK)]],
                     bg, sg)

  def drain_gathers(s):
    ba, bb, bg, _, sg, _ = sets[s]
    pltpu.make_async_copy(a1_hbm.at[idx_v.at[pl.ds(0, _CHUNK)]], ba, sg).wait()
    pltpu.make_async_copy(a2_hbm.at[idx_v.at[pl.ds(0, _CHUNK)]], bb, sg).wait()
    pltpu.make_async_copy(g1_hbm.at[idx_v.at[pl.ds(0, _CHUNK)]], bg, sg).wait()

  def drain_out(s):
    _, _, _, ob, _, so = sets[s]
    pltpu.make_async_copy(ob, out_hbm.at[pl.ds(0, _CHUNK // 2)], so).wait()

  def consume(s, j):
    ba, bb, bg, ob, sg, so = sets[s]
    drain_gathers(s)

    def row_body(r, c2):
      for h in range(2):
        b = 2 * r + h
        for k in range(_D // 32):
          sl = pl.ds(k * 32, 32)
          ssum = ba[b, sl] + bb[b, sl] + bg[b, sl]
          lo, hi = plsc.unpack(ssum, format=plsc.PackFormat.INTERLEAVED)
          ob[r, pl.ds(h * _D + k * 32, 16)] = lo
          ob[r, pl.ds(h * _D + k * 32 + 16, 16)] = hi
      return c2

    lax.fori_loop(0, _CHUNK // 2, row_body, 0, unroll=4)
    pltpu.async_copy(
        ob, out_hbm.at[pl.ds(pbase0 + j * (_CHUNK // 2), _CHUNK // 2)], so)

  issue(0, 0)

  def pair_body(t, carry):
    j1 = 2 * t + 1
    j0n = 2 * t + 2

    @pl.when(t > 0)
    def _():
      drain_out(1)
    issue(1, j1)

    consume(0, 2 * t)

    @pl.when(j0n < _N_CHUNKS)
    def _():
      drain_out(0)
      issue(0, j0n)

    consume(1, j1)
    return carry

  lax.fori_loop(0, _N_CHUNKS // 2, pair_body, 0)
  drain_out(0)
  drain_out(1)



def _mlp_body(x_ref, s_ref, w1m_ref, w2_ref, b2_ref, w3_ref, b3_ref,
              oe_ref, oo_ref):
  h = jnp.dot(x_ref[...], w1m_ref[...], preferred_element_type=jnp.float32)
  h = _softplus(h + s_ref[...])
  h = _softplus(
      jnp.dot(h, w2_ref[...], preferred_element_type=jnp.float32) + b2_ref[...]
  )
  tpacked = lax.dot_general(
      w3_ref[...], h, (((0,), (1,)), ((), ())),
      preferred_element_type=jnp.float32,
  ) + b3_ref[...]
  oe_ref[...] = tpacked[:32, :]
  oo_ref[...] = tpacked[32:, :]


def kernel(master_feats, atom_feats, global_feats, a2b_src, g2b_src,
           W1, b1, W2, b2, W3, b3):
  n_bonds = master_feats.shape[0]
  n_atoms = atom_feats.shape[0]
  d = _D

  W1m = W1[:d]
  j16 = jnp.arange(16)
  grp = jnp.stack([j16, j16 + 16], axis=1).reshape(32)
  perm = jnp.concatenate([grp, grp + 32])
  W1a = W1[d:2 * d][:, perm]
  W1b = W1[2 * d:3 * d][:, perm]
  W1g = W1[3 * d:4 * d][:, perm]
  b1p = b1[perm]

  rows1 = 10000
  grid1 = n_atoms // rows1
  A1, A2 = pl.pallas_call(
      _atom_tables_body,
      grid=(grid1,),
      in_specs=[
          pl.BlockSpec((rows1, d), lambda i: (i, 0)),
          pl.BlockSpec((d, d), lambda i: (0, 0)),
          pl.BlockSpec((d, d), lambda i: (0, 0)),
      ],
      out_specs=[
          pl.BlockSpec((rows1, d), lambda i: (i, 0)),
          pl.BlockSpec((rows1, d), lambda i: (i, 0)),
      ],
      out_shape=[
          jax.ShapeDtypeStruct((n_atoms, d), jnp.bfloat16),
          jax.ShapeDtypeStruct((n_atoms, d), jnp.bfloat16),
      ],
  )(atom_feats, W1a, W1b)

  G1 = pl.pallas_call(
      _glob_table_body,
      out_shape=jax.ShapeDtypeStruct((global_feats.shape[0], d), jnp.bfloat16),
  )(global_feats, W1g, b1p.reshape(1, d))

  pad = _B_PAD - n_bonds
  i0 = jnp.pad(a2b_src[:, 0], (0, pad)).reshape(_NW, _N_CHUNKS, 1, _CHUNK)
  i1 = jnp.pad(a2b_src[:, 1], (0, pad)).reshape(_NW, _N_CHUNKS, 1, _CHUNK)
  ig = jnp.pad(g2b_src, (0, pad)).reshape(_NW, _N_CHUNKS, 1, _CHUNK)
  idx_all = jnp.concatenate([i0, i1, ig], axis=2).reshape(_NW, _IDX_PER_W)

  mesh = plsc.VectorSubcoreMesh(
      core_axis_name="c", subcore_axis_name="s",
      num_cores=_NC, num_subcores=_NS,
  )
  sc_gather = pl.kernel(
      _sc_gather_body,
      out_type=jax.ShapeDtypeStruct((_B_PAD // 2, 2 * d), jnp.float32),
      mesh=mesh,
      compiler_params=pltpu.CompilerParams(
          use_tc_tiling_on_sc=False, needs_layout_passes=False),
      scratch_types=[
          pltpu.VMEM((_IDX_PER_W,), jnp.int32),
          pltpu.VMEM((_CHUNK, d), jnp.bfloat16),
          pltpu.VMEM((_CHUNK, d), jnp.bfloat16),
          pltpu.VMEM((_CHUNK, d), jnp.bfloat16),
          pltpu.VMEM((_CHUNK, d), jnp.bfloat16),
          pltpu.VMEM((_CHUNK, d), jnp.bfloat16),
          pltpu.VMEM((_CHUNK, d), jnp.bfloat16),
          pltpu.VMEM((_CHUNK // 2, 2 * d), jnp.float32),
          pltpu.VMEM((_CHUNK // 2, 2 * d), jnp.float32),
          pltpu.SemaphoreType.DMA,
          pltpu.SemaphoreType.DMA,
          pltpu.SemaphoreType.DMA,
          pltpu.SemaphoreType.DMA,
      ],
  )
  S2 = sc_gather(A1, A2, G1, idx_all)

  eye2 = jnp.eye(2, dtype=jnp.float32)
  W1bd = jnp.kron(eye2, W1m)
  W2bd = jnp.kron(eye2, W2)
  W3bd = jnp.kron(eye2, W3)
  b2bd = jnp.tile(b2, 2).reshape(1, 2 * d)
  b3bd = jnp.tile(b3, 2).reshape(64, 1)
  master2 = master_feats.reshape(n_bonds // 2, 2 * d)

  rows3 = 2048
  grid3 = pl.cdiv(n_bonds // 2, rows3)
  out = pl.pallas_call(
      _mlp_body,
      grid=(grid3,),
      in_specs=[
          pl.BlockSpec((rows3, 2 * d), lambda i: (i, 0)),
          pl.BlockSpec((rows3, 2 * d), lambda i: (i, 0)),
          pl.BlockSpec((2 * d, 2 * d), lambda i: (0, 0)),
          pl.BlockSpec((2 * d, 2 * d), lambda i: (0, 0)),
          pl.BlockSpec((1, 2 * d), lambda i: (0, 0)),
          pl.BlockSpec((2 * d, 64), lambda i: (0, 0)),
          pl.BlockSpec((64, 1), lambda i: (0, 0)),
      ],
      out_specs=[
          pl.BlockSpec((32, rows3), lambda i: (0, i)),
          pl.BlockSpec((32, rows3), lambda i: (0, i)),
      ],
      out_shape=[
          jax.ShapeDtypeStruct((32, n_bonds // 2), jnp.float32),
          jax.ShapeDtypeStruct((32, n_bonds // 2), jnp.float32),
      ],
  )(master2, S2, W1bd, W2bd, b2bd, W3bd, b3bd)

  out_e, out_o = out
  out_t = jnp.stack([out_e, out_o], axis=2).reshape(32, n_bonds)
  return out_t.T

# --- scband reference (transcript-rebuilt; emitter-appended) ---
"""Pipeline reference for scband-bond-update-layer-18373870092600 (READ-ONLY COPY).

The authoritative reference and input builder live on the scoring server;
editing this copy changes nothing except your own understanding.
"""

import jax, jax.numpy as jnp
import numpy as np

N_BONDS = 500000
N_ATOMS = 100000
N_GRAPHS = 1024
D_BOND = 64
D_ATOM = 64
D_GLOBAL = 64
IN_SIZE = D_BOND + 2 * D_ATOM + D_GLOBAL  # 256


def setup_inputs(seed: int = 0) -> dict:
    key = jax.random.key(seed)
    ks = jax.random.split(key, 12)
    master_feats = jax.random.normal(ks[0], (N_BONDS, D_BOND), dtype=jnp.float32)
    atom_feats = jax.random.normal(ks[1], (N_ATOMS, D_ATOM), dtype=jnp.float32)
    global_feats = jax.random.normal(ks[2], (N_GRAPHS, D_GLOBAL), dtype=jnp.float32)
    a2b_src = jax.random.randint(ks[3], (N_BONDS, 2), 0, N_ATOMS, dtype=jnp.int32)
    g2b_src = jax.random.randint(ks[4], (N_BONDS,), 0, N_GRAPHS, dtype=jnp.int32)
    # LinearN params: in_size -> 64 -> 64 -> 32, softplus on first two layers
    W1 = jax.random.normal(ks[5], (IN_SIZE, 64), dtype=jnp.float32) * 0.05
    b1 = jnp.zeros((64,), dtype=jnp.float32)
    W2 = jax.random.normal(ks[6], (64, 64), dtype=jnp.float32) * 0.05
    b2 = jnp.zeros((64,), dtype=jnp.float32)
    W3 = jax.random.normal(ks[7], (64, 32), dtype=jnp.float32) * 0.05
    b3 = jnp.zeros((32,), dtype=jnp.float32)
    return {
        "master_feats": master_feats,
        "atom_feats": atom_feats,
        "global_feats": global_feats,
        "a2b_src": a2b_src,
        "g2b_src": g2b_src,
        "W1": W1, "b1": b1, "W2": W2, "b2": b2, "W3": W3, "b3": b3,
    }


def reference(master_feats, atom_feats, global_feats, a2b_src, g2b_src, W1, b1, W2, b2, W3, b3):
    # etype (atom, a2b, bond): copy_u atom feats to mailbox, each bond has fixed
    # in-degree 2; reduce_fn flattens mailbox -> [N_bonds, 2*D_ATOM];
    # apply_node_fn concatenates onto bond ft.
    m_atom = jnp.take(atom_feats, a2b_src, axis=0).reshape(master_feats.shape[0], -1)
    ft = jnp.concatenate([master_feats, m_atom], axis=1)
    # etype (global, g2b, bond): each bond has in-degree 1 from its graph's global node
    m_glob = jnp.take(global_feats, g2b_src, axis=0)
    ft = jnp.concatenate([ft, m_glob], axis=1)
    # LinearN: Linear->Softplus, Linear->Softplus, Linear->Identity
    h = jax.nn.softplus(ft @ W1 + b1)
    h = jax.nn.softplus(h @ W2 + b2)
    out = h @ W3 + b3
    return out

if __name__ == "__main__":
    import jax
    _d = setup_inputs()
    print(jax.jit(kernel)(*tuple(_d.values())))

</pallas_src>

<mosaic_0001>
#map = affine_map<(d0, d1) -> (0, 0)>
module attributes {stable_mosaic.version = 14 : i64} {
  func.func @_sc_gather_body(%arg0: i32, %arg1: i32, %arg2: memref<100000x64xbf16, #tpu.memory_space<hbm>>, %arg3: memref<100000x64xbf16, #tpu.memory_space<hbm>>, %arg4: memref<1024x64xbf16, #tpu.memory_space<hbm>>, %arg5: memref<32x47616xi32, #tpu.memory_space<hbm>>, %arg6: memref<253952x128xf32, #tpu.memory_space<hbm>>, %arg7: memref<47616xi32, #tpu.memory_space<vmem>>, %arg8: memref<128x64xbf16, #tpu.memory_space<vmem>>, %arg9: memref<128x64xbf16, #tpu.memory_space<vmem>>, %arg10: memref<128x64xbf16, #tpu.memory_space<vmem>>, %arg11: memref<128x64xbf16, #tpu.memory_space<vmem>>, %arg12: memref<128x64xbf16, #tpu.memory_space<vmem>>, %arg13: memref<128x64xbf16, #tpu.memory_space<vmem>>, %arg14: memref<64x128xf32, #tpu.memory_space<vmem>>, %arg15: memref<64x128xf32, #tpu.memory_space<vmem>>, %arg16: memref<!tpu.dma_semaphore, #tpu.memory_space<semaphore_mem>>, %arg17: memref<!tpu.dma_semaphore, #tpu.memory_space<semaphore_mem>>, %arg18: memref<!tpu.dma_semaphore, #tpu.memory_space<semaphore_mem>>, %arg19: memref<!tpu.dma_semaphore, #tpu.memory_space<semaphore_mem>>) attributes {dimension_semantics = [#tpu.dimension_semantics<core_parallel>, #tpu.dimension_semantics<subcore_parallel>], iteration_bounds = array<i64: 2, 16>, scalar_prefetch = 0 : i64, scratch_operands = 13 : i64, tpu.core_type = #tpu.core_type<sc_vector_subcore>, window_params = [{transform_indices = #map}, {transform_indices = #map}, {transform_indices = #map}, {transform_indices = #map}, {transform_indices = #map}]} {
    %mul3A = arith.constant 2 : i32
    %mul3A_0 = arith.muli %arg1, %mul3A : i32
    %add3A = arith.addi %mul3A_0, %arg0 : i32
    %mul3A_1 = arith.constant 7936 : i32
    %mul3A_2 = arith.muli %add3A, %mul3A_1 : i32
    "tpu.region"() ({
      %run_scoped3A = tpu.sem_alloc : memref<!tpu.dma_semaphore, #tpu.memory_space<semaphore_mem>>
      %dma_start3A_33 = arith.constant 0 : i32
      %dma_start3A_34 = tpu.memref_slice %arg5[%add3A, %dma_start3A_33] : memref<32x47616xi32, #tpu.memory_space<hbm>> -> memref<1x47616xi32, #tpu.memory_space<hbm>>
      %dma_start3A_35 = tpu.memref_squeeze %dma_start3A_34 : memref<1x47616xi32, #tpu.memory_space<hbm>> -> memref<47616xi32, #tpu.memory_space<hbm>>
      %dma_start3A_36 = arith.constant 0 : i32
      %dma_start3A_37 = tpu.memref_slice %arg5[%add3A, %dma_start3A_36] : memref<32x47616xi32, #tpu.memory_space<hbm>> -> memref<1x47616xi32, #tpu.memory_space<hbm>>
      %dma_start3A_38 = tpu.memref_squeeze %dma_start3A_37 : memref<1x47616xi32, #tpu.memory_space<hbm>> -> memref<47616xi32, #tpu.memory_space<hbm>>
      tpu.enqueue_dma source(%dma_start3A_38 : memref<47616xi32, #tpu.memory_space<hbm>>) target(%arg7 : memref<47616xi32, #tpu.memory_space<vmem>>) target_semaphore(%run_scoped3A : memref<!tpu.dma_semaphore, #tpu.memory_space<semaphore_mem>>)
      %dma_wait3A_39 = arith.constant 0 : i32
      %dma_wait3A_40 = tpu.memref_slice %arg5[%add3A, %dma_wait3A_39] : memref<32x47616xi32, #tpu.memory_space<hbm>> -> memref<1x47616xi32, #tpu.memory_space<hbm>>
      %dma_wait3A_41 = tpu.memref_squeeze %dma_wait3A_40 : memref<1x47616xi32, #tpu.memory_space<hbm>> -> memref<47616xi32, #tpu.memory_space<hbm>>
      %dma_wait3A_42 = arith.constant 0 : i32
      %dma_wait3A_43 = tpu.memref_slice %arg5[%add3A, %dma_wait3A_42] : memref<32x47616xi32, #tpu.memory_space<hbm>> -> memref<1x47616xi32, #tpu.memory_space<hbm>>
      %dma_wait3A_44 = tpu.memref_squeeze %dma_wait3A_43 : memref<1x47616xi32, #tpu.memory_space<hbm>> -> memref<47616xi32, #tpu.memory_space<hbm>>
      tpu.wait_dma2 semaphore(%run_scoped3A : memref<!tpu.dma_semaphore, #tpu.memory_space<semaphore_mem>>) src(%dma_wait3A_44 : memref<47616xi32, #tpu.memory_space<hbm>>) dst(%arg7 : memref<47616xi32, #tpu.memory_space<vmem>>)
      tpu.yield
    }) : () -> ()
    %dma_start3A = arith.constant 0 : i32
    %dma_start3A_3 = tpu.memref_slice %arg7[%dma_start3A] : memref<47616xi32, #tpu.memory_space<vmem>> -> memref<128xi32, #tpu.memory_space<vmem>>
    %dma_start3A_4 = arith.constant 0 : i32
    %dma_start3A_5 = arith.constant 0 : i32
    %dma_start3A_6 = tpu.memref_slice %arg2[%dma_start3A_4, %dma_start3A_5] : memref<100000x64xbf16, #tpu.memory_space<hbm>> -> memref<100000x64xbf16, #tpu.memory_space<hbm>>
    tpu.enqueue_indirect_dma source(%dma_start3A_6 : memref<100000x64xbf16, #tpu.memory_space<hbm>>) target(%arg8 : memref<128x64xbf16, #tpu.memory_space<vmem>>) offsets(%dma_start3A_3 : memref<128xi32, #tpu.memory_space<vmem>>) semaphore(%arg16 : memref<!tpu.dma_semaphore, #tpu.memory_space<semaphore_mem>>)
    %dma_start3A_7 = arith.constant 128 : i32
    %dma_start3A_8 = tpu.memref_slice %arg7[%dma_start3A_7] : memref<47616xi32, #tpu.memory_space<vmem>> -> memref<128xi32, #tpu.memory_space<vmem>>
    %dma_start3A_9 = arith.constant 0 : i32
    %dma_start3A_10 = arith.constant 0 : i32
    %dma_start3A_11 = tpu.memref_slice %arg3[%dma_start3A_9, %dma_start3A_10] : memref<100000x64xbf16, #tpu.memory_space<hbm>> -> memref<100000x64xbf16, #tpu.memory_space<hbm>>
    tpu.enqueue_indirect_dma source(%dma_start3A_11 : memref<100000x64xbf16, #tpu.memory_space<hbm>>) target(%arg9 : memref<128x64xbf16, #tpu.memory_space<vmem>>) offsets(%dma_start3A_8 : memref<128xi32, #tpu.memory_space<vmem>>) semaphore(%arg16 : memref<!tpu.dma_semaphore, #tpu.memory_space<semaphore_mem>>)
    %dma_start3A_12 = arith.constant 256 : i32
    %dma_start3A_13 = tpu.memref_slice %arg7[%dma_start3A_12] : memref<47616xi32, #tpu.memory_space<vmem>> -> memref<128xi32, #tpu.memory_space<vmem>>
    %dma_start3A_14 = arith.constant 0 : i32
    %dma_start3A_15 = arith.constant 0 : i32
    %dma_start3A_16 = tpu.memref_slice %arg4[%dma_start3A_14, %dma_start3A_15] : memref<1024x64xbf16, #tpu.memory_space<hbm>> -> memref<1024x64xbf16, #tpu.memory_space<hbm>>
    tpu.enqueue_indirect_dma source(%dma_start3A_16 : memref<1024x64xbf16, #tpu.memory_space<hbm>>) target(%arg10 : memref<128x64xbf16, #tpu.memory_space<vmem>>) offsets(%dma_start3A_13 : memref<128xi32, #tpu.memory_space<vmem>>) semaphore(%arg16 : memref<!tpu.dma_semaphore, #tpu.memory_space<semaphore_mem>>)
    %scan3A = arith.constant 0 : i32
    %scan3A_17 = arith.constant 0 : i32
    %scan3A_18 = arith.constant 62 : i32
    %scan3A_19 = arith.addi %scan3A_17, %scan3A_18 : i32
    %scan3A_20 = arith.constant 1 : i32
    scf.for %scan3A_33 = %scan3A_17 to %scan3A_19 step %scan3A_20  : i32 {
      %mul3A_34 = arith.constant 2 : i32
      %mul3A_35 = arith.muli %mul3A_34, %scan3A_33 : i32
      %add3A_36 = arith.constant 1 : i32
      %add3A_37 = arith.addi %mul3A_35, %add3A_36 : i32
      %mul3A_38 = arith.constant 2 : i32
      %mul3A_39 = arith.muli %mul3A_38, %scan3A_33 : i32
      %add3A_40 = arith.constant 2 : i32
      %add3A_41 = arith.addi %mul3A_39, %add3A_40 : i32
      %gt3A = arith.constant 0 : i32
      %gt3A_42 = arith.cmpi sgt, %scan3A_33, %gt3A : i32
      %convert_element_type3A = arith.extui %gt3A_42 : i1 to i32
      %cond3A = arith.constant 0 : i32
      %cond3A_43 = arith.cmpi ne, %convert_element_type3A, %cond3A : i32
      scf.if %cond3A_43 {
        %dma_wait3A_124 = arith.constant 0 : i32
        %dma_wait3A_125 = arith.constant 0 : i32
        %dma_wait3A_126 = tpu.memref_slice %arg6[%dma_wait3A_124, %dma_wait3A_125] : memref<253952x128xf32, #tpu.memory_space<hbm>> -> memref<64x128xf32, #tpu.memory_space<hbm>>
        %dma_wait3A_127 = arith.constant 0 : i32
        %dma_wait3A_128 = arith.constant 0 : i32
        %dma_wait3A_129 = tpu.memref_slice %arg6[%dma_wait3A_127, %dma_wait3A_128] : memref<253952x128xf32, #tpu.memory_space<hbm>> -> memref<64x128xf32, #tpu.memory_space<hbm>>
        tpu.wait_dma2 semaphore(%arg19 : memref<!tpu.dma_semaphore, #tpu.memory_space<semaphore_mem>>) src(%arg15 : memref<64x128xf32, #tpu.memory_space<vmem>>) dst(%dma_wait3A_129 : memref<64x128xf32, #tpu.memory_space<hbm>>)
      } else {
      }
      %mul3A_44 = arith.constant 384 : i32
      %mul3A_45 = arith.muli %add3A_37, %mul3A_44 : i32
      %dma_start3A_46 = tpu.memref_slice %arg7[%mul3A_45] : memref<47616xi32, #tpu.memory_space<vmem>> -> memref<128xi32, #tpu.memory_space<vmem>>
      %dma_start3A_47 = arith.constant 0 : i32
      %dma_start3A_48 = arith.constant 0 : i32
      %dma_start3A_49 = tpu.memref_slice %arg2[%dma_start3A_47, %dma_start3A_48] : memref<100000x64xbf16, #tpu.memory_space<hbm>> -> memref<100000x64xbf16, #tpu.memory_space<hbm>>
      tpu.enqueue_indirect_dma source(%dma_start3A_49 : memref<100000x64xbf16, #tpu.memory_space<hbm>>) target(%arg11 : memref<128x64xbf16, #tpu.memory_space<vmem>>) offsets(%dma_start3A_46 : memref<128xi32, #tpu.memory_space<vmem>>) semaphore(%arg17 : memref<!tpu.dma_semaphore, #tpu.memory_space<semaphore_mem>>)
      %add3A_50 = arith.constant 128 : i32
      %add3A_51 = arith.addi %mul3A_45, %add3A_50 : i32
      %dma_start3A_52 = tpu.memref_slice %arg7[%add3A_51] : memref<47616xi32, #tpu.memory_space<vmem>> -> memref<128xi32, #tpu.memory_space<vmem>>
      %dma_start3A_53 = arith.constant 0 : i32
      %dma_start3A_54 = arith.constant 0 : i32
      %dma_start3A_55 = tpu.memref_slice %arg3[%dma_start3A_53, %dma_start3A_54] : memref<100000x64xbf16, #tpu.memory_space<hbm>> -> memref<100000x64xbf16, #tpu.memory_space<hbm>>
      tpu.enqueue_indirect_dma source(%dma_start3A_55 : memref<100000x64xbf16, #tpu.memory_space<hbm>>) target(%arg12 : memref<128x64xbf16, #tpu.memory_space<vmem>>) offsets(%dma_start3A_52 : memref<128xi32, #tpu.memory_space<vmem>>) semaphore(%arg17 : memref<!tpu.dma_semaphore, #tpu.memory_space<semaphore_mem>>)
      %add3A_56 = arith.constant 256 : i32
      %add3A_57 = arith.addi %mul3A_45, %add3A_56 : i32
      %dma_start3A_58 = tpu.memref_slice %arg7[%add3A_57] : memref<47616xi32, #tpu.memory_space<vmem>> -> memref<128xi32, #tpu.memory_space<vmem>>
      %dma_start3A_59 = arith.constant 0 : i32
      %dma_start3A_60 = arith.constant 0 : i32
      %dma_start3A_61 = tpu.memref_slice %arg4[%dma_start3A_59, %dma_start3A_60] : memref<1024x64xbf16, #tpu.memory_space<hbm>> -> memref<1024x64xbf16, #tpu.memory_space<hbm>>
      tpu.enqueue_indirect_dma source(%dma_start3A_61 : memref<1024x64xbf16, #tpu.memory_space<hbm>>) target(%arg13 : memref<128x64xbf16, #tpu.memory_space<vmem>>) offsets(%dma_start3A_58 : memref<128xi32, #tpu.memory_space<vmem>>) semaphore(%arg17 : memref<!tpu.dma_semaphore, #tpu.memory_space<semaphore_mem>>)
      %mul3A_62 = arith.constant 2 : i32
      %mul3A_63 = arith.muli %mul3A_62, %scan3A_33 : i32
      %dma_wait3A_64 = arith.constant 0 : i32
      %dma_wait3A_65 = tpu.memref_slice %arg7[%dma_wait3A_64] : memref<47616xi32, #tpu.memory_space<vmem>> -> memref<128xi32, #tpu.memory_space<vmem>>
      %dma_wait3A_66 = arith.constant 0 : i32
      %dma_wait3A_67 = arith.constant 0 : i32
      %dma_wait3A_68 = tpu.memref_slice %arg2[%dma_wait3A_66, %dma_wait3A_67] : memref<100000x64xbf16, #tpu.memory_space<hbm>> -> memref<100000x64xbf16, #tpu.memory_space<hbm>>
      tpu.wait_indirect_dma semaphore(%arg16 : memref<!tpu.dma_semaphore, #tpu.memory_space<semaphore_mem>>) src(%dma_wait3A_68 : memref<100000x64xbf16, #tpu.memory_space<hbm>>) dst(%arg8 : memref<128x64xbf16, #tpu.memory_space<vmem>>)
      %dma_wait3A_69 = arith.constant 0 : i32
      %dma_wait3A_70 = tpu.memref_slice %arg7[%dma_wait3A_69] : memref<47616xi32, #tpu.memory_space<vmem>> -> memref<128xi32, #tpu.memory_space<vmem>>
      %dma_wait3A_71 = arith.constant 0 : i32
      %dma_wait3A_72 = arith.constant 0 : i32
      %dma_wait3A_73 = tpu.memref_slice %arg3[%dma_wait3A_71, %dma_wait3A_72] : memref<100000x64xbf16, #tpu.memory_space<hbm>> -> memref<100000x64xbf16, #tpu.memory_space<hbm>>
      tpu.wait_indirect_dma semaphore(%arg16 : memref<!tpu.dma_semaphore, #tpu.memory_space<semaphore_mem>>) src(%dma_wait3A_73 : memref<100000x64xbf16, #tpu.memory_space<hbm>>) dst(%arg9 : memref<128x64xbf16, #tpu.memory_space<vmem>>)
      %dma_wait3A_74 = arith.constant 0 : i32
      %dma_wait3A_75 = tpu.memref_slice %arg7[%dma_wait3A_74] : memref<47616xi32, #tpu.memory_space<vmem>> -> memref<128xi32, #tpu.memory_space<vmem>>
      %dma_wait3A_76 = arith.constant 0 : i32
      %dma_wait3A_77 = arith.constant 0 : i32
      %dma_wait3A_78 = tpu.memref_slice %arg4[%dma_wait3A_76, %dma_wait3A_77] : memref<1024x64xbf16, #tpu.memory_space<hbm>> -> memref<1024x64xbf16, #tpu.memory_space<hbm>>
      tpu.wait_indirect_dma semaphore(%arg16 : memref<!tpu.dma_semaphore, #tpu.memory_space<semaphore_mem>>) src(%dma_wait3A_78 : memref<1024x64xbf16, #tpu.memory_space<hbm>>) dst(%arg10 : memref<128x64xbf16, #tpu.memory_space<vmem>>)
      %scan3A_79 = arith.constant 0 : i32
      %scan3A_80 = arith.constant 0 : i32
      %scan3A_81 = arith.constant 64 : i32
      %scan3A_82 = arith.addi %scan3A_80, %scan3A_81 : i32
      %scan3A_83 = arith.constant 4 : i32
      scf.for %scan3A_124 = %scan3A_80 to %scan3A_82 step %scan3A_83  : i32 {
        %mul3A_125 = arith.constant 2 : i32
        %mul3A_126 = arith.muli %mul3A_125, %scan3A_124 : i32
        %add3A_127 = arith.constant 0 : i32
        %add3A_128 = arith.addi %mul3A_126, %add3A_127 : i32
        %get3A = arith.index_cast %add3A_128 : i32 to index
        %get3A_129 = arith.constant 0 : index
        %get3A_130 = tpu.vector_load %arg8[%get3A, %get3A_129] {strides = array<i32>} : memref<128x64xbf16, #tpu.memory_space<vmem>>, vector<32xbf16>,
        %get3A_131 = arith.index_cast %add3A_128 : i32 to index
        %get3A_132 = arith.constant 0 : index
        %get3A_133 = tpu.vector_load %arg9[%get3A_131, %get3A_132] {strides = array<i32>} : memref<128x64xbf16, #tpu.memory_space<vmem>>, vector<32xbf16>,
        %add3A_134 = arith.addf %get3A_130, %get3A_133 : vector<32xbf16>
        %get3A_135 = arith.index_cast %add3A_128 : i32 to index
        %get3A_136 = arith.constant 0 : index
        %get3A_137 = tpu.vector_load %arg10[%get3A_135, %get3A_136] {strides = array<i32>} : memref<128x64xbf16, #tpu.memory_space<vmem>>, vector<32xbf16>,
        %add3A_138 = arith.addf %add3A_134, %get3A_137 : vector<32xbf16>
        %unpack3A = tpu.unpack_subelements %add3A_138, 0 {pack_format = #tpu.pack_format<interleaved>} : vector<32xbf16> -> vector<16xf32>
        %unpack3A_139 = tpu.unpack_subelements %add3A_138, 1 {pack_format = #tpu.pack_format<interleaved>} : vector<32xbf16> -> vector<16xf32>
        %swap3A = arith.index_cast %scan3A_124 : i32 to index
        %swap3A_140 = arith.constant 0 : index
        %swap3A_141 = tpu.vector_load %arg14[%swap3A, %swap3A_140] {strides = array<i32>} : memref<64x128xf32, #tpu.memory_space<vmem>>, vector<16xf32>,
        tpu.vector_store %arg14[%swap3A, %swap3A_140], %unpack3A {strides = array<i32>} : memref<64x128xf32, #tpu.memory_space<vmem>>, vector<16xf32>,
        %swap3A_142 = arith.index_cast %scan3A_124 : i32 to index
        %swap3A_143 = arith.constant 16 : index
        %swap3A_144 = tpu.vector_load %arg14[%swap3A_142, %swap3A_143] {strides = array<i32>} : memref<64x128xf32, #tpu.memory_space<vmem>>, vector<16xf32>,
        tpu.vector_store %arg14[%swap3A_142, %swap3A_143], %unpack3A_139 {strides = array<i32>} : memref<64x128xf32, #tpu.memory_space<vmem>>, vector<16xf32>,
        %get3A_145 = arith.index_cast %add3A_128 : i32 to index
        %get3A_146 = arith.constant 32 : index
        %get3A_147 = tpu.vector_load %arg8[%get3A_145, %get3A_146] {strides = array<i32>} : memref<128x64xbf16, #tpu.memory_space<vmem>>, vector<32xbf16>,
        %get3A_148 = arith.index_cast %add3A_128 : i32 to index
        %get3A_149 = arith.constant 32 : index
        %get3A_150 = tpu.vector_load %arg9[%get3A_148, %get3A_149] {strides = array<i32>} : memref<128x64xbf16, #tpu.memory_space<vmem>>, vector<32xbf16>,
        %add3A_151 = arith.addf %get3A_147, %get3A_150 : vector<32xbf16>
        %get3A_152 = arith.index_cast %add3A_128 : i32 to index
        %get3A_153 = arith.constant 32 : index
        %get3A_154 = tpu.vector_load %arg10[%get3A_152, %get3A_153] {strides = array<i32>} : memref<128x64xbf16, #tpu.memory_space<vmem>>, vector<32xbf16>,
        %add3A_155 = arith.addf %add3A_151, %get3A_154 : vector<32xbf16>
        %unpack3A_156 = tpu.unpack_subelements %add3A_155, 0 {pack_format = #tpu.pack_format<interleaved>} : vector<32xbf16> -> vector<16xf32>
        %unpack3A_157 = tpu.unpack_subelements %add3A_155, 1 {pack_format = #tpu.pack_format<interleaved>} : vector<32xbf16> -> vector<16xf32>
        %swap3A_158 = arith.index_cast %scan3A_124 : i32 to index
        %swap3A_159 = arith.constant 32 : index
        %swap3A_160 = tpu.vector_load %arg14[%swap3A_158, %swap3A_159] {strides = array<i32>} : memref<64x128xf32, #tpu.memory_space<vmem>>, vector<16xf32>,
        tpu.vector_store %arg14[%swap3A_158, %swap3A_159], %unpack3A_156 {strides = array<i32>} : memref<64x128xf32, #tpu.memory_space<vmem>>, vector<16xf32>,
        %swap3A_161 = arith.index_cast %scan3A_124 : i32 to index
        %swap3A_162 = arith.constant 48 : index
        %swap3A_163 = tpu.vector_load %arg14[%swap3A_161, %swap3A_162] {strides = array<i32>} : memref<64x128xf32, #tpu.memory_space<vmem>>, vector<16xf32>,
        tpu.vector_store %arg14[%swap3A_161, %swap3A_162], %unpack3A_157 {strides = array<i32>} : memref<64x128xf32, #tpu.memory_space<vmem>>, vector<16xf32>,
        %mul3A_164 = arith.constant 2 : i32
        %mul3A_165 = arith.muli %mul3A_164, %scan3A_124 : i32
        %add3A_166 = arith.constant 1 : i32
        %add3A_167 = arith.addi %mul3A_165, %add3A_166 : i32
        %get3A_168 = arith.index_cast %add3A_167 : i32 to index
        %get3A_169 = arith.constant 0 : index
        %get3A_170 = tpu.vector_load %arg8[%get3A_168, %get3A_169] {strides = array<i32>} : memref<128x64xbf16, #tpu.memory_space<vmem>>, vector<32xbf16>,
        %get3A_171 = arith.index_cast %add3A_167 : i32 to index
        %get3A_172 = arith.constant 0 : index
        %get3A_173 = tpu.vector_load %arg9[%get3A_171, %get3A_172] {strides = array<i32>} : memref<128x64xbf16, #tpu.memory_space<vmem>>, vector<32xbf16>,
        %add3A_174 = arith.addf %get3A_170, %get3A_173 : vector<32xbf16>
        %get3A_175 = arith.index_cast %add3A_167 : i32 to index
        %get3A_176 = arith.constant 0 : index
        %get3A_177 = tpu.vector_load %arg10[%get3A_175, %get3A_176] {strides = array<i32>} : memref<128x64xbf16, #tpu.memory_space<vmem>>, vector<32xbf16>,
        %add3A_178 = arith.addf %add3A_174, %get3A_177 : vector<32xbf16>
        %unpack3A_179 = tpu.unpack_subelements %add3A_178, 0 {pack_format = #tpu.pack_format<interleaved>} : vector<32xbf16> -> vector<16xf32>
        %unpack3A_180 = tpu.unpack_subelements %add3A_178, 1 {pack_format = #tpu.pack_format<interleaved>} : vector<32xbf16> -> vector<16xf32>
        %swap3A_181 = arith.index_cast %scan3A_124 : i32 to index
        %swap3A_182 = arith.constant 64 : index
        %swap3A_183 = tpu.vector_load %arg14[%swap3A_181, %swap3A_182] {strides = array<i32>} : memref<64x128xf32, #tpu.memory_space<vmem>>, vector<16xf32>,
        tpu.vector_store %arg14[%swap3A_181, %swap3A_182], %unpack3A_179 {strides = array<i32>} : memref<64x128xf32, #tpu.memory_space<vmem>>, vector<16xf32>,
        %swap3A_184 = arith.index_cast %scan3A_124 : i32 to index
        %swap3A_185 = arith.constant 80 : index
        %swap3A_186 = tpu.vector_load %arg14[%swap3A_184, %swap3A_185] {strides = array<i32>} : memref<64x128xf32, #tpu.memory_space<vmem>>, vector<16xf32>,
        tpu.vector_store %arg14[%swap3A_184, %swap3A_185], %unpack3A_180 {strides = array<i32>} : memref<64x128xf32, #tpu.memory_space<vmem>>, vector<16xf32>,
        %get3A_187 = arith.index_cast %add3A_167 : i32 to index
        %get3A_188 = arith.constant 32 : index
        %get3A_189 = tpu.vector_load %arg8[%get3A_187, %get3A_188] {strides = array<i32>} : memref<128x64xbf16, #tpu.memory_space<vmem>>, vector<32xbf16>,
        %get3A_190 = arith.index_cast %add3A_167 : i32 to index
        %get3A_191 = arith.constant 32 : index
        %get3A_192 = tpu.vector_load %arg9[%get3A_190, %get3A_191] {strides = array<i32>} : memref<128x64xbf16, #tpu.memory_space<vmem>>, vector<32xbf16>,
        %add3A_193 = arith.addf %get3A_189, %get3A_192 : vector<32xbf16>
        %get3A_194 = arith.index_cast %add3A_167 : i32 to index
        %get3A_195 = arith.constant 32 : index
        %get3A_196 = tpu.vector_load %arg10[%get3A_194, %get3A_195] {strides = array<i32>} : memref<128x64xbf16, #tpu.memory_space<vmem>>, vector<32xbf16>,
        %add3A_197 = arith.addf %add3A_193, %get3A_196 : vector<32xbf16>
        %unpack3A_198 = tpu.unpack_subelements %add3A_197, 0 {pack_format = #tpu.pack_format<interleaved>} : vector<32xbf16> -> vector<16xf32>
        %unpack3A_199 = tpu.unpack_subelements %add3A_197, 1 {pack_format = #tpu.pack_format<interleaved>} : vector<32xbf16> -> vector<16xf32>
        %swap3A_200 = arith.index_cast %scan3A_124 : i32 to index
        %swap3A_201 = arith.constant 96 : index
        %swap3A_202 = tpu.vector_load %arg14[%swap3A_200, %swap3A_201] {strides = array<i32>} : memref<64x128xf32, #tpu.memory_space<vmem>>, vector<16xf32>,
        tpu.vector_store %arg14[%swap3A_200, %swap3A_201], %unpack3A_198 {strides = array<i32>} : memref<64x128xf32, #tpu.memory_space<vmem>>, vector<16xf32>,
        %swap3A_203 = arith.index_cast %scan3A_124 : i32 to index
        %swap3A_204 = arith.constant 112 : index
        %swap3A_205 = tpu.vector_load %arg14[%swap3A_203, %swap3A_204] {strides = array<i32>} : memref<64x128xf32, #tpu.memory_space<vmem>>, vector<16xf32>,
        tpu.vector_store %arg14[%swap3A_203, %swap3A_204], %unpack3A_199 {strides = array<i32>} : memref<64x128xf32, #tpu.memory_space<vmem>>, vector<16xf32>,
        %scan3A_206 = arith.constant 1 : i32
        %scan3A_207 = arith.addi %scan3A_124, %scan3A_206 : i32
        %mul3A_208 = arith.constant 2 : i32
        %mul3A_209 = arith.muli %mul3A_208, %scan3A_207 : i32
        %add3A_210 = arith.constant 0 : i32
        %add3A_211 = arith.addi %mul3A_209, %add3A_210 : i32
        %get3A_212 = arith.index_cast %add3A_211 : i32 to index
        %get3A_213 = arith.constant 0 : index
        %get3A_214 = tpu.vector_load %arg8[%get3A_212, %get3A_213] {strides = array<i32>} : memref<128x64xbf16, #tpu.memory_space<vmem>>, vector<32xbf16>,
        %get3A_215 = arith.index_cast %add3A_211 : i32 to index
        %get3A_216 = arith.constant 0 : index
        %get3A_217 = tpu.vector_load %arg9[%get3A_215, %get3A_216] {strides = array<i32>} : memref<128x64xbf16, #tpu.memory_space<vmem>>, vector<32xbf16>,
        %add3A_218 = arith.addf %get3A_214, %get3A_217 : vector<32xbf16>
        %get3A_219 = arith.index_cast %add3A_211 : i32 to index
        %get3A_220 = arith.constant 0 : index
        %get3A_221 = tpu.vector_load %arg10[%get3A_219, %get3A_220] {strides = array<i32>} : memref<128x64xbf16, #tpu.memory_space<vmem>>, vector<32xbf16>,
        %add3A_222 = arith.addf %add3A_218, %get3A_221 : vector<32xbf16>
        %unpack3A_223 = tpu.unpack_subelements %add3A_222, 0 {pack_format = #tpu.pack_format<interleaved>} : vector<32xbf16> -> vector<16xf32>
        %unpack3A_224 = tpu.unpack_subelements %add3A_222, 1 {pack_format = #tpu.pack_format<interleaved>} : vector<32xbf16> -> vector<16xf32>
        %swap3A_225 = arith.index_cast %scan3A_207 : i32 to index
        %swap3A_226 = arith.constant 0 : index
        %swap3A_227 = tpu.vector_load %arg14[%swap3A_225, %swap3A_226] {strides = array<i32>} : memref<64x128xf32, #tpu.memory_space<vmem>>, vector<16xf32>,
        tpu.vector_store %arg14[%swap3A_225, %swap3A_226], %unpack3A_223 {strides = array<i32>} : memref<64x128xf32, #tpu.memory_space<vmem>>, vector<16xf32>,
        %swap3A_228 = arith.index_cast %scan3A_207 : i32 to index
        %swap3A_229 = arith.constant 16 : index
        %swap3A_230 = tpu.vector_load %arg14[%swap3A_228, %swap3A_229] {strides = array<i32>} : memref<64x128xf32, #tpu.memory_space<vmem>>, vector<16xf32>,
        tpu.vector_store %arg14[%swap3A_228, %swap3A_229], %unpack3A_224 {strides = array<i32>} : memref<64x128xf32, #tpu.memory_space<vmem>>, vector<16xf32>,
        %get3A_231 = arith.index_cast %add3A_211 : i32 to index
        %get3A_232 = arith.constant 32 : index
        %get3A_233 = tpu.vector_load %arg8[%get3A_231, %get3A_232] {strides = array<i32>} : memref<128x64xbf16, #tpu.memory_space<vmem>>, vector<32xbf16>,
        %get3A_234 = arith.index_cast %add3A_211 : i32 to index
        %get3A_235 = arith.constant 32 : index
        %get3A_236 = tpu.vector_load %arg9[%get3A_234, %get3A_235] {strides = array<i32>} : memref<128x64xbf16, #tpu.memory_space<vmem>>, vector<32xbf16>,
        %add3A_237 = arith.addf %get3A_233, %get3A_236 : vector<32xbf16>
        %get3A_238 = arith.index_cast %add3A_211 : i32 to index
        %get3A_239 = arith.constant 32 : index
        %get3A_240 = tpu.vector_load %arg10[%get3A_238, %get3A_239] {strides = array<i32>} : memref<128x64xbf16, #tpu.memory_space<vmem>>, vector<32xbf16>,
        %add3A_241 = arith.addf %add3A_237, %get3A_240 : vector<32xbf16>
        %unpack3A_242 = tpu.unpack_subelements %add3A_241, 0 {pack_format = #tpu.pack_format<interleaved>} : vector<32xbf16> -> vector<16xf32>
        %unpack3A_243 = tpu.unpack_subelements %add3A_241, 1 {pack_format = #tpu.pack_format<interleaved>} : vector<32xbf16> -> vector<16xf32>
        %swap3A_244 = arith.index_cast %scan3A_207 : i32 to index
        %swap3A_245 = arith.constant 32 : index
        %swap3A_246 = tpu.vector_load %arg14[%swap3A_244, %swap3A_245] {strides = array<i32>} : memref<64x128xf32, #tpu.memory_space<vmem>>, vector<16xf32>,
        tpu.vector_store %arg14[%swap3A_244, %swap3A_245], %unpack3A_242 {strides = array<i32>} : memref<64x128xf32, #tpu.memory_space<vmem>>, vector<16xf32>,
        %swap3A_247 = arith.index_cast %scan3A_207 : i32 to index
        %swap3A_248 = arith.constant 48 : index
        %swap3A_249 = tpu.vector_load %arg14[%swap3A_247, %swap3A_248] {strides = array<i32>} : memref<64x128xf32, #tpu.memory_space<vmem>>, vector<16xf32>,
        tpu.vector_store %arg14[%swap3A_247, %swap3A_248], %unpack3A_243 {strides = array<i32>} : memref<64x128xf32, #tpu.memory_space<vmem>>, vector<16xf32>,
        %mul3A_250 = arith.constant 2 : i32
        %mul3A_251 = arith.muli %mul3A_250, %scan3A_207 : i32
        %add3A_252 = arith.constant 1 : i32
        %add3A_253 = arith.addi %mul3A_251, %add3A_252 : i32
        %get3A_254 = arith.index_cast %add3A_253 : i32 to index
        %get3A_255 = arith.constant 0 : index
        %get3A_256 = tpu.vector_load %arg8[%get3A_254, %get3A_255] {strides = array<i32>} : memref<128x64xbf16, #tpu.memory_space<vmem>>, vector<32xbf16>,
        %get3A_257 = arith.index_cast %add3A_253 : i32 to index
        %get3A_258 = arith.constant 0 : index
        %get3A_259 = tpu.vector_load %arg9[%get3A_257, %get3A_258] {strides = array<i32>} : memref<128x64xbf16, #tpu.memory_space<vmem>>, vector<32xbf16>,
        %add3A_260 = arith.addf %get3A_256, %get3A_259 : vector<32xbf16>
        %get3A_261 = arith.index_cast %add3A_253 : i32 to index
        %get3A_262 = arith.constant 0 : index
        %get3A_263 = tpu.vector_load %arg10[%get3A_261, %get3A_262] {strides = array<i32>} : memref<128x64xbf16, #tpu.memory_space<vmem>>, vector<32xbf16>,
        %add3A_264 = arith.addf %add3A_260, %get3A_263 : vector<32xbf16>
        %unpack3A_265 = tpu.unpack_subelements %add3A_264, 0 {pack_format = #tpu.pack_format<interleaved>} : vector<32xbf16> -> vector<16xf32>
        %unpack3A_266 = tpu.unpack_subelements %add3A_264, 1 {pack_format = #tpu.pack_format<interleaved>} : vector<32xbf16> -> vector<16xf32>
        %swap3A_267 = arith.index_cast %scan3A_207 : i32 to index
        %swap3A_268 = arith.constant 64 : index
        %swap3A_269 = tpu.vector_load %arg14[%swap3A_267, %swap3A_268] {strides = array<i32>} : memref<64x128xf32, #tpu.memory_space<vmem>>, vector<16xf32>,
        tpu.vector_store %arg14[%swap3A_267, %swap3A_268], %unpack3A_265 {strides = array<i32>} : memref<64x128xf32, #tpu.memory_space<vmem>>, vector<16xf32>,
        %swap3A_270 = arith.index_cast %scan3A_207 : i32 to index
        %swap3A_271 = arith.constant 80 : index
        %swap3A_272 = tpu.vector_load %arg14[%swap3A_270, %swap3A_271] {strides = array<i32>} : memref<64x128xf32, #tpu.memory_space<vmem>>, vector<16xf32>,
        tpu.vector_store %arg14[%swap3A_270, %swap3A_271], %unpack3A_266 {strides = array<i32>} : memref<64x128xf32, #tpu.memory_space<vmem>>, vector<16xf32>,
        %get3A_273 = arith.index_cast %add3A_253 : i32 to index
        %get3A_274 = arith.constant 32 : index
        %get3A_275 = tpu.vector_load %arg8[%get3A_273, %get3A_274] {strides = array<i32>} : memref<128x64xbf16, #tpu.memory_space<vmem>>, vector<32xbf16>,
        %get3A_276 = arith.index_cast %add3A_253 : i32 to index
        %get3A_277 = arith.constant 32 : index
        %get3A_278 = tpu.vector_load %arg9[%get3A_276, %get3A_277] {strides = array<i32>} : memref<128x64xbf16, #tpu.memory_space<vmem>>, vector<32xbf16>,
        %add3A_279 = arith.addf %get3A_275, %get3A_278 : vector<32xbf16>
        %get3A_280 = arith.index_cast %add3A_253 : i32 to index
        %get3A_281 = arith.constant 32 : index
        %get3A_282 = tpu.vector_load %arg10[%get3A_280, %get3A_281] {strides = array<i32>} : memref<128x64xbf16, #tpu.memory_space<vmem>>, vector<32xbf16>,
        %add3A_283 = arith.addf %add3A_279, %get3A_282 : vector<32xbf16>
        %unpack3A_284 = tpu.unpack_subelements %add3A_283, 0 {pack_format = #tpu.pack_format<interleaved>} : vector<32xbf16> -> vector<16xf32>
        %unpack3A_285 = tpu.unpack_subelements %add3A_283, 1 {pack_format = #tpu.pack_format<interleaved>} : vector<32xbf16> -> vector<16xf32>
        %swap3A_286 = arith.index_cast %scan3A_207 : i32 to index
        %swap3A_287 = arith.constant 96 : index
        %swap3A_288 = tpu.vector_load %arg14[%swap3A_286, %swap3A_287] {strides = array<i32>} : memref<64x128xf32, #tpu.memory_space<vmem>>, vector<16xf32>,
        tpu.vector_store %arg14[%swap3A_286, %swap3A_287], %unpack3A_284 {strides = array<i32>} : memref<64x128xf32, #tpu.memory_space<vmem>>, vector<16xf32>,
        %swap3A_289 = arith.index_cast %scan3A_207 : i32 to index
        %swap3A_290 = arith.constant 112 : index
        %swap3A_291 = tpu.vector_load %arg14[%swap3A_289, %swap3A_290] {strides = array<i32>} : memref<64x128xf32, #tpu.memory_space<vmem>>, vector<16xf32>,
        tpu.vector_store %arg14[%swap3A_289, %swap3A_290], %unpack3A_285 {strides = array<i32>} : memref<64x128xf32, #tpu.memory_space<vmem>>, vector<16xf32>,
        %scan3A_292 = arith.constant 2 : i32
        %scan3A_293 = arith.addi %scan3A_124, %scan3A_292 : i32
        %mul3A_294 = arith.constant 2 : i32
        %mul3A_295 = arith.muli %mul3A_294, %scan3A_293 : i32
        %add3A_296 = arith.constant 0 : i32
        %add3A_297 = arith.addi %mul3A_295, %add3A_296 : i32
        %get3A_298 = arith.index_cast %add3A_297 : i32 to index
        %get3A_299 = arith.constant 0 : index
        %get3A_300 = tpu.vector_load %arg8[%get3A_298, %get3A_299] {strides = array<i32>} : memref<128x64xbf16, #tpu.memory_space<vmem>>, vector<32xbf16>,
        %get3A_301 = arith.index_cast %add3A_297 : i32 to index
        %get3A_302 = arith.constant 0 : index
        %get3A_303 = tpu.vector_load %arg9[%get3A_301, %get3A_302] {strides = array<i32>} : memref<128x64xbf16, #tpu.memory_space<vmem>>, vector<32xbf16>,
        %add3A_304 = arith.addf %get3A_300, %get3A_303 : vector<32xbf16>
        %get3A_305 = arith.index_cast %add3A_297 : i32 to index
        %get3A_306 = arith.constant 0 : index
        %get3A_307 = tpu.vector_load %arg10[%get3A_305, %get3A_306] {strides = array<i32>} : memref<128x64xbf16, #tpu.memory_space<vmem>>, vector<32xbf16>,
        %add3A_308 = arith.addf %add3A_304, %get3A_307 : vector<32xbf16>
        %unpack3A_309 = tpu.unpack_subelements %add3A_308, 0 {pack_format = #tpu.pack_format<interleaved>} : vector<32xbf16> -> vector<16xf32>
        %unpack3A_310 = tpu.unpack_subelements %add3A_308, 1 {pack_format = #tpu.pack_format<interleaved>} : vector<32xbf16> -> vector<16xf32>
        %swap3A_311 = arith.index_cast %scan3A_293 : i32 to index
        %swap3A_312 = arith.constant 0 : index
        %swap3A_313 = tpu.vector_load %arg14[%swap3A_311, %swap3A_312] {strides = array<i32>} : memref<64x128xf32, #tpu.memory_space<vmem>>, vector<16xf32>,
        tpu.vector_store %arg14[%swap3A_311, %swap3A_312], %unpack3A_309 {strides = array<i32>} : memref<64x128xf32, #tpu.memory_space<vmem>>, vector<16xf32>,
        %swap3A_314 = arith.index_cast %scan3A_293 : i32 to index
        %swap3A_315 = arith.constant 16 : index
        %swap3A_316 = tpu.vector_load %arg14[%swap3A_314, %swap3A_315] {strides = array<i32>} : memref<64x128xf32, #tpu.memory_space<vmem>>, vector<16xf32>,
        tpu.vector_store %arg14[%swap3A_314, %swap3A_315], %unpack3A_310 {strides = array<i32>} : memref<64x128xf32, #tpu.memory_space<vmem>>, vector<16xf32>,
        %get3A_317 = arith.index_cast %add3A_297 : i32 to index
        %get3A_318 = arith.constant 32 : index
        %get3A_319 = tpu.vector_load %arg8[%get3A_317, %get3A_318] {strides = array<i32>} : memref<128x64xbf16, #tpu.memory_space<vmem>>, vector<32xbf16>,
        %get3A_320 = arith.index_cast %add3A_297 : i32 to index
        %get3A_321 = arith.constant 32 : index
        %get3A_322 = tpu.vector_load %arg9[%get3A_320, %get3A_321] {strides = array<i32>} : memref<128x64xbf16, #tpu.memory_space<vmem>>, vector<32xbf16>,
        %add3A_323 = arith.addf %get3A_319, %get3A_322 : vector<32xbf16>
        %get3A_324 = arith.index_cast %add3A_297 : i32 to index
        %get3A_325 = arith.constant 32 : index
        %get3A_326 = tpu.vector_load %arg10[%get3A_324, %get3A_325] {strides = array<i32>} : memref<128x64xbf16, #tpu.memory_space<vmem>>, vector<32xbf16>,
        %add3A_327 = arith.addf %add3A_323, %get3A_326 : vector<32xbf16>
        %unpack3A_328 = tpu.unpack_subelements %add3A_327, 0 {pack_format = #tpu.pack_format<interleaved>} : vector<32xbf16> -> vector<16xf32>
        %unpack3A_329 = tpu.unpack_subelements %add3A_327, 1 {pack_format = #tpu.pack_format<interleaved>} : vector<32xbf16> -> vector<16xf32>
        %swap3A_330 = arith.index_cast %scan3A_293 : i32 to index
        %swap3A_331 = arith.constant 32 : index
        %swap3A_332 = tpu.vector_load %arg14[%swap3A_330, %swap3A_331] {strides = array<i32>} : memref<64x128xf32, #tpu.memory_space<vmem>>, vector<16xf32>,
        tpu.vector_store %arg14[%swap3A_330, %swap3A_331], %unpack3A_328 {strides = array<i32>} : memref<64x128xf32, #tpu.memory_space<vmem>>, vector<16xf32>,
        %swap3A_333 = arith.index_cast %scan3A_293 : i32 to index
        %swap3A_334 = arith.constant 48 : index
        %swap3A_335 = tpu.vector_load %arg14[%swap3A_333, %swap3A_334] {strides = array<i32>} : memref<64x128xf32, #tpu.memory_space<vmem>>, vector<16xf32>,
        tpu.vector_store %arg14[%swap3A_333, %swap3A_334], %unpack3A_329 {strides = array<i32>} : memref<64x128xf32, #tpu.memory_space<vmem>>, vector<16xf32>,
        %mul3A_336 = arith.constant 2 : i32
        %mul3A_337 = arith.muli %mul3A_336, %scan3A_293 : i32
        %add3A_338 = arith.constant 1 : i32
        %add3A_339 = arith.addi %mul3A_337, %add3A_338 : i32
        %get3A_340 = arith.index_cast %add3A_339 : i32 to index
        %get3A_341 = arith.constant 0 : index
        %get3A_342 = tpu.vector_load %arg8[%get3A_340, %get3A_341] {strides = array<i32>} : memref<128x64xbf16, #tpu.memory_space<vmem>>, vector<32xbf16>,
        %get3A_343 = arith.index_cast %add3A_339 : i32 to index
        %get3A_344 = arith.constant 0 : index
        %get3A_345 = tpu.vector_load %arg9[%get3A_343, %get3A_344] {strides = array<i32>} : memref<128x64xbf16, #tpu.memory_space<vmem>>, vector<32xbf16>,
        %add3A_346 = arith.addf %get3A_342, %get3A_345 : vector<32xbf16>
        %get3A_347 = arith.index_cast %add3A_339 : i32 to index
        %get3A_348 = arith.constant 0 : index
        %get3A_349 = tpu.vector_load %arg10[%get3A_347, %get3A_348] {strides = array<i32>} : memref<128x64xbf16, #tpu.memory_space<vmem>>, vector<32xbf16>,
        %add3A_350 = arith.addf %add3A_346, %get3A_349 : vector<32xbf16>
        %unpack3A_351 = tpu.unpack_subelements %add3A_350, 0 {pack_format = #tpu.pack_format<interleaved>} : vector<32xbf16> -> vector<16xf32>
        %unpack3A_352 = tpu.unpack_subelements %add3A_350, 1 {pack_format = #tpu.pack_format<interleaved>} : vector<32xbf16> -> vector<16xf32>
        %swap3A_353 = arith.index_cast %scan3A_293 : i32 to index
        %swap3A_354 = arith.constant 64 : index
        %swap3A_355 = tpu.vector_load %arg14[%swap3A_353, %swap3A_354] {strides = array<i32>} : memref<64x128xf32, #tpu.memory_space<vmem>>, vector<16xf32>,
        tpu.vector_store %arg14[%swap3A_353, %swap3A_354], %unpack3A_351 {strides = array<i32>} : memref<64x128xf32, #tpu.memory_space<vmem>>, vector<16xf32>,
        %swap3A_356 = arith.index_cast %scan3A_293 : i32 to index
        %swap3A_357 = arith.constant 80 : index
        %swap3A_358 = tpu.vector_load %arg14[%swap3A_356, %swap3A_357] {strides = array<i32>} : memref<64x128xf32, #tpu.memory_space<vmem>>, vector<16xf32>,
        tpu.vector_store %arg14[%swap3A_356, %swap3A_357], %unpack3A_352 {strides = array<i32>} : memref<64x128xf32, #tpu.memory_space<vmem>>, vector<16xf32>,
        %get3A_359 = arith.index_cast %add3A_339 : i32 to index
        %get3A_360 = arith.constant 32 : index
        %get3A_361 = tpu.vector_load %arg8[%get3A_359, %get3A_360] {strides = array<i32>} : memref<128x64xbf16, #tpu.memory_space<vmem>>, vector<32xbf16>,
        %get3A_362 = arith.index_cast %add3A_339 : i32 to index
        %get3A_363 = arith.constant 32 : index
        %get3A_364 = tpu.vector_load %arg9[%get3A_362, %get3A_363] {strides = array<i32>} : memref<128x64xbf16, #tpu.memory_space<vmem>>, vector<32xbf16>,
        %add3A_365 = arith.addf %get3A_361, %get3A_364 : vector<32xbf16>
        %get3A_366 = arith.index_cast %add3A_339 : i32 to index
        %get3A_367 = arith.constant 32 : index
        %get3A_368 = tpu.vector_load %arg10[%get3A_366, %get3A_367] {strides = array<i32>} : memref<128x64xbf16, #tpu.memory_space<vmem>>, vector<32xbf16>,
        %add3A_369 = arith.addf %add3A_365, %get3A_368 : vector<32xbf16>
        %unpack3A_370 = tpu.unpack_subelements %add3A_369, 0 {pack_format = #tpu.pack_format<interleaved>} : vector<32xbf16> -> vector<16xf32>
        %unpack3A_371 = tpu.unpack_subelements %add3A_369, 1 {pack_format = #tpu.pack_format<interleaved>} : vector<32xbf16> -> vector<16xf32>
        %swap3A_372 = arith.index_cast %scan3A_293 : i32 to index
        %swap3A_373 = arith.constant 96 : index
        %swap3A_374 = tpu.vector_load %arg14[%swap3A_372, %swap3A_373] {strides = array<i32>} : memref<64x128xf32, #tpu.memory_space<vmem>>, vector<16xf32>,
        tpu.vector_store %arg14[%swap3A_372, %swap3A_373], %unpack3A_370 {strides = array<i32>} : memref<64x128xf32, #tpu.memory_space<vmem>>, vector<16xf32>,
        %swap3A_375 = arith.index_cast %scan3A_293 : i32 to index
        %swap3A_376 = arith.constant 112 : index
        %swap3A_377 = tpu.vector_load %arg14[%swap3A_375, %swap3A_376] {strides = array<i32>} : memref<64x128xf32, #tpu.memory_space<vmem>>, vector<16xf32>,
        tpu.vector_store %arg14[%swap3A_375, %swap3A_376], %unpack3A_371 {strides = array<i32>} : memref<64x128xf32, #tpu.memory_space<vmem>>, vector<16xf32>,
        %scan3A_378 = arith.constant 3 : i32
        %scan3A_379 = arith.addi %scan3A_124, %scan3A_378 : i32
        %mul3A_380 = arith.constant 2 : i32
        %mul3A_381 = arith.muli %mul3A_380, %scan3A_379 : i32
        %add3A_382 = arith.constant 0 : i32
        %add3A_383 = arith.addi %mul3A_381, %add3A_382 : i32
        %get3A_384 = arith.index_cast %add3A_383 : i32 to index
        %get3A_385 = arith.constant 0 : index
        %get3A_386 = tpu.vector_load %arg8[%get3A_384, %get3A_385] {strides = array<i32>} : memref<128x64xbf16, #tpu.memory_space<vmem>>, vector<32xbf16>,
        %get3A_387 = arith.index_cast %add3A_383 : i32 to index
        %get3A_388 = arith.constant 0 : index
        %get3A_389 = tpu.vector_load %arg9[%get3A_387, %get3A_388] {strides = array<i32>} : memref<128x64xbf16, #tpu.memory_space<vmem>>, vector<32xbf16>,
        %add3A_390 = arith.addf %get3A_386, %get3A_389 : vector<32xbf16>
        %get3A_391 = arith.index_cast %add3A_383 : i32 to index
        %get3A_392 = arith.constant 0 : index
        %get3A_393 = tpu.vector_load %arg10[%get3A_391, %get3A_392] {strides = array<i32>} : memref<128x64xbf16, #tpu.memory_space<vmem>>, vector<32xbf16>,
        %add3A_394 = arith.addf %add3A_390, %get3A_393 : vector<32xbf16>
        %unpack3A_395 = tpu.unpack_subelements %add3A_394, 0 {pack_format = #tpu.pack_format<interleaved>} : vector<32xbf16> -> vector<16xf32>
        %unpack3A_396 = tpu.unpack_subelements %add3A_394, 1 {pack_format = #tpu.pack_format<interleaved>} : vector<32xbf16> -> vector<16xf32>
        %swap3A_397 = arith.index_cast %scan3A_379 : i32 to index
        %swap3A_398 = arith.constant 0 : index
        %swap3A_399 = tpu.vector_load %arg14[%swap3A_397, %swap3A_398] {strides = array<i32>} : memref<64x128xf32, #tpu.memory_space<vmem>>, vector<16xf32>,
        tpu.vector_store %arg14[%swap3A_397, %swap3A_398], %unpack3A_395 {strides = array<i32>} : memref<64x128xf32, #tpu.memory_space<vmem>>, vector<16xf32>,
        %swap3A_400 = arith.index_cast %scan3A_379 : i32 to index
        %swap3A_401 = arith.constant 16 : index
        %swap3A_402 = tpu.vector_load %arg14[%swap3A_400, %swap3A_401] {strides = array<i32>} : memref<64x128xf32, #tpu.memory_space<vmem>>, vector<16xf32>,
        tpu.vector_store %arg14[%swap3A_400, %swap3A_401], %unpack3A_396 {strides = array<i32>} : memref<64x128xf32, #tpu.memory_space<vmem>>, vector<16xf32>,
        %get3A_403 = arith.index_cast %add3A_383 : i32 to index
        %get3A_404 = arith.constant 32 : index
        %get3A_405 = tpu.vector_load %arg8[%get3A_403, %get3A_404] {strides = array<i32>} : memref<128x64xbf16, #tpu.memory_space<vmem>>, vector<32xbf16>,
        %get3A_406 = arith.index_cast %add3A_383 : i32 to index
        %get3A_407 = arith.constant 32 : index
        %get3A_408 = tpu.vector_load %arg9[%get3A_406, %get3A_407] {strides = array<i32>} : memref<128x64xbf16, #tpu.memory_space<vmem>>, vector<32xbf16>,
        %add3A_409 = arith.addf %get3A_405, %get3A_408 : vector<32xbf16>
        %get3A_410 = arith.index_cast %add3A_383 : i32 to index
        %get3A_411 = arith.constant 32 : index
        %get3A_412 = tpu.vector_load %arg10[%get3A_410, %get3A_411] {strides = array<i32>} : memref<128x64xbf16, #tpu.memory_space<vmem>>, vector<32xbf16>,
        %add3A_413 = arith.addf %add3A_409, %get3A_412 : vector<32xbf16>
        %unpack3A_414 = tpu.unpack_subelements %add3A_413, 0 {pack_format = #tpu.pack_format<interleaved>} : vector<32xbf16> -> vector<16xf32>
        %unpack3A_415 = tpu.unpack_subelements %add3A_413, 1 {pack_format = #tpu.pack_format<interleaved>} : vector<32xbf16> -> vector<16xf32>
        %swap3A_416 = arith.index_cast %scan3A_379 : i32 to index
        %swap3A_417 = arith.constant 32 : index
        %swap3A_418 = tpu.vector_load %arg14[%swap3A_416, %swap3A_417] {strides = array<i32>} : memref<64x128xf32, #tpu.memory_space<vmem>>, vector<16xf32>,
        tpu.vector_store %arg14[%swap3A_416, %swap3A_417], %unpack3A_414 {strides = array<i32>} : memref<64x128xf32, #tpu.memory_space<vmem>>, vector<16xf32>,
        %swap3A_419 = arith.index_cast %scan3A_379 : i32 to index
        %swap3A_420 = arith.constant 48 : index
        %swap3A_421 = tpu.vector_load %arg14[%swap3A_419, %swap3A_420] {strides = array<i32>} : memref<64x128xf32, #tpu.memory_space<vmem>>, vector<16xf32>,
        tpu.vector_store %arg14[%swap3A_419, %swap3A_420], %unpack3A_415 {strides = array<i32>} : memref<64x128xf32, #tpu.memory_space<vmem>>, vector<16xf32>,
        %mul3A_422 = arith.constant 2 : i32
        %mul3A_423 = arith.muli %mul3A_422, %scan3A_379 : i32
        %add3A_424 = arith.constant 1 : i32
        %add3A_425 = arith.addi %mul3A_423, %add3A_424 : i32
        %get3A_426 = arith.index_cast %add3A_425 : i32 to index
        %get3A_427 = arith.constant 0 : index
        %get3A_428 = tpu.vector_load %arg8[%get3A_426, %get3A_427] {strides = array<i32>} : memref<128x64xbf16, #tpu.memory_space<vmem>>, vector<32xbf16>,
        %get3A_429 = arith.index_cast %add3A_425 : i32 to index
        %get3A_430 = arith.constant 0 : index
        %get3A_431 = tpu.vector_load %arg9[%get3A_429, %get3A_430] {strides = array<i32>} : memref<128x64xbf16, #tpu.memory_space<vmem>>, vector<32xbf16>,
        %add3A_432 = arith.addf %get3A_428, %get3A_431 : vector<32xbf16>
        %get3A_433 = arith.index_cast %add3A_425 : i32 to index
        %get3A_434 = arith.constant 0 : index
        %get3A_435 = tpu.vector_load %arg10[%get3A_433, %get3A_434] {strides = array<i32>} : memref<128x64xbf16, #tpu.memory_space<vmem>>, vector<32xbf16>,
        %add3A_436 = arith.addf %add3A_432, %get3A_435 : vector<32xbf16>
        %unpack3A_437 = tpu.unpack_subelements %add3A_436, 0 {pack_format = #tpu.pack_format<interleaved>} : vector<32xbf16> -> vector<16xf32>
        %unpack3A_438 = tpu.unpack_subelements %add3A_436, 1 {pack_format = #tpu.pack_format<interleaved>} : vector<32xbf16> -> vector<16xf32>
        %swap3A_439 = arith.index_cast %scan3A_379 : i32 to index
        %swap3A_440 = arith.constant 64 : index
        %swap3A_441 = tpu.vector_load %arg14[%swap3A_439, %swap3A_440] {strides = array<i32>} : memref<64x128xf32, #tpu.memory_space<vmem>>, vector<16xf32>,
        tpu.vector_store %arg14[%swap3A_439, %swap3A_440], %unpack3A_437 {strides = array<i32>} : memref<64x128xf32, #tpu.memory_space<vmem>>, vector<16xf32>,
        %swap3A_442 = arith.index_cast %scan3A_379 : i32 to index
        %swap3A_443 = arith.constant 80 : index
        %swap3A_444 = tpu.vector_load %arg14[%swap3A_442, %swap3A_443] {strides = array<i32>} : memref<64x128xf32, #tpu.memory_space<vmem>>, vector<16xf32>,
        tpu.vector_store %arg14[%swap3A_442, %swap3A_443], %unpack3A_438 {strides = array<i32>} : memref<64x128xf32, #tpu.memory_space<vmem>>, vector<16xf32>,
        %get3A_445 = arith.index_cast %add3A_425 : i32 to index
        %get3A_446 = arith.constant 32 : index
        %get3A_447 = tpu.vector_load %arg8[%get3A_445, %get3A_446] {strides = array<i32>} : memref<128x64xbf16, #tpu.memory_space<vmem>>, vector<32xbf16>,
        %get3A_448 = arith.index_cast %add3A_425 : i32 to index
        %get3A_449 = arith.constant 32 : index
        %get3A_450 = tpu.vector_load %arg9[%get3A_448, %get3A_449] {strides = array<i32>} : memref<128x64xbf16, #tpu.memory_space<vmem>>, vector<32xbf16>,
        %add3A_451 = arith.addf %get3A_447, %get3A_450 : vector<32xbf16>
        %get3A_452 = arith.index_cast %add3A_425 : i32 to index
        %get3A_453 = arith.constant 32 : index
        %get3A_454 = tpu.vector_load %arg10[%get3A_452, %get3A_453] {strides = array<i32>} : memref<128x64xbf16, #tpu.memory_space<vmem>>, vector<32xbf16>,
        %add3A_455 = arith.addf %add3A_451, %get3A_454 : vector<32xbf16>
        %unpack3A_456 = tpu.unpack_subelements %add3A_455, 0 {pack_format = #tpu.pack_format<interleaved>} : vector<32xbf16> -> vector<16xf32>
        %unpack3A_457 = tpu.unpack_subelements %add3A_455, 1 {pack_format = #tpu.pack_format<interleaved>} : vector<32xbf16> -> vector<16xf32>
        %swap3A_458 = arith.index_cast %scan3A_379 : i32 to index
        %swap3A_459 = arith.constant 96 : index
        %swap3A_460 = tpu.vector_load %arg14[%swap3A_458, %swap3A_459] {strides = array<i32>} : memref<64x128xf32, #tpu.memory_space<vmem>>, vector<16xf32>,
        tpu.vector_store %arg14[%swap3A_458, %swap3A_459], %unpack3A_456 {strides = array<i32>} : memref<64x128xf32, #tpu.memory_space<vmem>>, vector<16xf32>,
        %swap3A_461 = arith.index_cast %scan3A_379 : i32 to index
        %swap3A_462 = arith.constant 112 : index
        %swap3A_463 = tpu.vector_load %arg14[%swap3A_461, %swap3A_462] {strides = array<i32>} : memref<64x128xf32, #tpu.memory_space<vmem>>, vector<16xf32>,
        tpu.vector_store %arg14[%swap3A_461, %swap3A_462], %unpack3A_457 {strides = array<i32>} : memref<64x128xf32, #tpu.memory_space<vmem>>, vector<16xf32>,
      }
      %scan3A_84 = arith.constant 64 : i32
      %mul3A_85 = arith.constant 64 : i32
      %mul3A_86 = arith.muli %mul3A_63, %mul3A_85 : i32
      %add3A_87 = arith.addi %mul3A_2, %mul3A_86 : i32
      %dma_start3A_88 = arith.constant 0 : i32
      %dma_start3A_89 = tpu.memref_slice %arg6[%add3A_87, %dma_start3A_88] : memref<253952x128xf32, #tpu.memory_space<hbm>> -> memref<64x128xf32, #tpu.memory_space<hbm>>
      %dma_start3A_90 = arith.constant 0 : i32
      %dma_start3A_91 = tpu.memref_slice %arg6[%add3A_87, %dma_start3A_90] : memref<253952x128xf32, #tpu.memory_space<hbm>> -> memref<64x128xf32, #tpu.memory_space<hbm>>
      tpu.enqueue_dma source(%arg14 : memref<64x128xf32, #tpu.memory_space<vmem>>) target(%dma_start3A_91 : memref<64x128xf32, #tpu.memory_space<hbm>>) target_semaphore(%arg18 : memref<!tpu.dma_semaphore, #tpu.memory_space<semaphore_mem>>)
      %lt3A = arith.constant 124 : i32
      %lt3A_92 = arith.cmpi slt, %add3A_41, %lt3A : i32
      %convert_element_type3A_93 = arith.extui %lt3A_92 : i1 to i32
      %cond3A_94 = arith.constant 0 : i32
      %cond3A_95 = arith.cmpi ne, %convert_element_type3A_93, %cond3A_94 : i32
      scf.if %cond3A_95 {
        %dma_wait3A_124 = arith.constant 0 : i32
        %dma_wait3A_125 = arith.constant 0 : i32
        %dma_wait3A_126 = tpu.memref_slice %arg6[%dma_wait3A_124, %dma_wait3A_125] : memref<253952x128xf32, #tpu.memory_space<hbm>> -> memref<64x128xf32, #tpu.memory_space<hbm>>
        %dma_wait3A_127 = arith.constant 0 : i32
        %dma_wait3A_128 = arith.constant 0 : i32
        %dma_wait3A_129 = tpu.memref_slice %arg6[%dma_wait3A_127, %dma_wait3A_128] : memref<253952x128xf32, #tpu.memory_space<hbm>> -> memref<64x128xf32, #tpu.memory_space<hbm>>
        tpu.wait_dma2 semaphore(%arg18 : memref<!tpu.dma_semaphore, #tpu.memory_space<semaphore_mem>>) src(%arg14 : memref<64x128xf32, #tpu.memory_space<vmem>>) dst(%dma_wait3A_129 : memref<64x128xf32, #tpu.memory_space<hbm>>)
        %mul3A_130 = arith.constant 384 : i32
        %mul3A_131 = arith.muli %add3A_41, %mul3A_130 : i32
        %dma_start3A_132 = tpu.memref_slice %arg7[%mul3A_131] : memref<47616xi32, #tpu.memory_space<vmem>> -> memref<128xi32, #tpu.memory_space<vmem>>
        %dma_start3A_133 = arith.constant 0 : i32
        %dma_start3A_134 = arith.constant 0 : i32
        %dma_start3A_135 = tpu.memref_slice %arg2[%dma_start3A_133, %dma_start3A_134] : memref<100000x64xbf16, #tpu.memory_space<hbm>> -> memref<100000x64xbf16, #tpu.memory_space<hbm>>
        tpu.enqueue_indirect_dma source(%dma_start3A_135 : memref<100000x64xbf16, #tpu.memory_space<hbm>>) target(%arg8 : memref<128x64xbf16, #tpu.memory_space<vmem>>) offsets(%dma_start3A_132 : memref<128xi32, #tpu.memory_space<vmem>>) semaphore(%arg16 : memref<!tpu.dma_semaphore, #tpu.memory_space<semaphore_mem>>)
        %add3A_136 = arith.constant 128 : i32
        %add3A_137 = arith.addi %mul3A_131, %add3A_136 : i32
        %dma_start3A_138 = tpu.memref_slice %arg7[%add3A_137] : memref<47616xi32, #tpu.memory_space<vmem>> -> memref<128xi32, #tpu.memory_space<vmem>>
        %dma_start3A_139 = arith.constant 0 : i32
        %dma_start3A_140 = arith.constant 0 : i32
        %dma_start3A_141 = tpu.memref_slice %arg3[%dma_start3A_139, %dma_start3A_140] : memref<100000x64xbf16, #tpu.memory_space<hbm>> -> memref<100000x64xbf16, #tpu.memory_space<hbm>>
        tpu.enqueue_indirect_dma source(%dma_start3A_141 : memref<100000x64xbf16, #tpu.memory_space<hbm>>) target(%arg9 : memref<128x64xbf16, #tpu.memory_space<vmem>>) offsets(%dma_start3A_138 : memref<128xi32, #tpu.memory_space<vmem>>) semaphore(%arg16 : memref<!tpu.dma_semaphore, #tpu.memory_space<semaphore_mem>>)
        %add3A_142 = arith.constant 256 : i32
        %add3A_143 = arith.addi %mul3A_131, %add3A_142 : i32
        %dma_start3A_144 = tpu.memref_slice %arg7[%add3A_143] : memref<47616xi32, #tpu.memory_space<vmem>> -> memref<128xi32, #tpu.memory_space<vmem>>
        %dma_start3A_145 = arith.constant 0 : i32
        %dma_start3A_146 = arith.constant 0 : i32
        %dma_start3A_147 = tpu.memref_slice %arg4[%dma_start3A_145, %dma_start3A_146] : memref<1024x64xbf16, #tpu.memory_space<hbm>> -> memref<1024x64xbf16, #tpu.memory_space<hbm>>
        tpu.enqueue_indirect_dma source(%dma_start3A_147 : memref<1024x64xbf16, #tpu.memory_space<hbm>>) target(%arg10 : memref<128x64xbf16, #tpu.memory_space<vmem>>) offsets(%dma_start3A_144 : memref<128xi32, #tpu.memory_space<vmem>>) semaphore(%arg16 : memref<!tpu.dma_semaphore, #tpu.memory_space<semaphore_mem>>)
      } else {
      }
      %dma_wait3A_96 = arith.constant 0 : i32
      %dma_wait3A_97 = tpu.memref_slice %arg7[%dma_wait3A_96] : memref<47616xi32, #tpu.memory_space<vmem>> -> memref<128xi32, #tpu.memory_space<vmem>>
      %dma_wait3A_98 = arith.constant 0 : i32
      %dma_wait3A_99 = arith.constant 0 : i32
      %dma_wait3A_100 = tpu.memref_slice %arg2[%dma_wait3A_98, %dma_wait3A_99] : memref<100000x64xbf16, #tpu.memory_space<hbm>> -> memref<100000x64xbf16, #tpu.memory_space<hbm>>
      tpu.wait_indirect_dma semaphore(%arg17 : memref<!tpu.dma_semaphore, #tpu.memory_space<semaphore_mem>>) src(%dma_wait3A_100 : memref<100000x64xbf16, #tpu.memory_space<hbm>>) dst(%arg11 : memref<128x64xbf16, #tpu.memory_space<vmem>>)
      %dma_wait3A_101 = arith.constant 0 : i32
      %dma_wait3A_102 = tpu.memref_slice %arg7[%dma_wait3A_101] : memref<47616xi32, #tpu.memory_space<vmem>> -> memref<128xi32, #tpu.memory_space<vmem>>
      %dma_wait3A_103 = arith.constant 0 : i32
      %dma_wait3A_104 = arith.constant 0 : i32
      %dma_wait3A_105 = tpu.memref_slice %arg3[%dma_wait3A_103, %dma_wait3A_104] : memref<100000x64xbf16, #tpu.memory_space<hbm>> -> memref<100000x64xbf16, #tpu.memory_space<hbm>>
      tpu.wait_indirect_dma semaphore(%arg17 : memref<!tpu.dma_semaphore, #tpu.memory_space<semaphore_mem>>) src(%dma_wait3A_105 : memref<100000x64xbf16, #tpu.memory_space<hbm>>) dst(%arg12 : memref<128x64xbf16, #tpu.memory_space<vmem>>)
      %dma_wait3A_106 = arith.constant 0 : i32
      %dma_wait3A_107 = tpu.memref_slice %arg7[%dma_wait3A_106] : memref<47616xi32, #tpu.memory_space<vmem>> -> memref<128xi32, #tpu.memory_space<vmem>>
      %dma_wait3A_108 = arith.constant 0 : i32
      %dma_wait3A_109 = arith.constant 0 : i32
      %dma_wait3A_110 = tpu.memref_slice %arg4[%dma_wait3A_108, %dma_wait3A_109] : memref<1024x64xbf16, #tpu.memory_space<hbm>> -> memref<1024x64xbf16, #tpu.memory_space<hbm>>
      tpu.wait_indirect_dma semaphore(%arg17 : memref<!tpu.dma_semaphore, #tpu.memory_space<semaphore_mem>>) src(%dma_wait3A_110 : memref<1024x64xbf16, #tpu.memory_space<hbm>>) dst(%arg13 : memref<128x64xbf16, #tpu.memory_space<vmem>>)
      %scan3A_111 = arith.constant 0 : i32
      %scan3A_112 = arith.constant 0 : i32
      %scan3A_113 = arith.constant 64 : i32
      %scan3A_114 = arith.addi %scan3A_112, %scan3A_113 : i32
      %scan3A_115 = arith.constant 4 : i32
      scf.for %scan3A_124 = %scan3A_112 to %scan3A_114 step %scan3A_115  : i32 {
        %mul3A_125 = arith.constant 2 : i32
        %mul3A_126 = arith.muli %mul3A_125, %scan3A_124 : i32
        %add3A_127 = arith.constant 0 : i32
        %add3A_128 = arith.addi %mul3A_126, %add3A_127 : i32
        %get3A = arith.index_cast %add3A_128 : i32 to index
        %get3A_129 = arith.constant 0 : index
        %get3A_130 = tpu.vector_load %arg11[%get3A, %get3A_129] {strides = array<i32>} : memref<128x64xbf16, #tpu.memory_space<vmem>>, vector<32xbf16>,
        %get3A_131 = arith.index_cast %add3A_128 : i32 to index
        %get3A_132 = arith.constant 0 : index
        %get3A_133 = tpu.vector_load %arg12[%get3A_131, %get3A_132] {strides = array<i32>} : memref<128x64xbf16, #tpu.memory_space<vmem>>, vector<32xbf16>,
        %add3A_134 = arith.addf %get3A_130, %get3A_133 : vector<32xbf16>
        %get3A_135 = arith.index_cast %add3A_128 : i32 to index
        %get3A_136 = arith.constant 0 : index
        %get3A_137 = tpu.vector_load %arg13[%get3A_135, %get3A_136] {strides = array<i32>} : memref<128x64xbf16, #tpu.memory_space<vmem>>, vector<32xbf16>,
        %add3A_138 = arith.addf %add3A_134, %get3A_137 : vector<32xbf16>
        %unpack3A = tpu.unpack_subelements %add3A_138, 0 {pack_format = #tpu.pack_format<interleaved>} : vector<32xbf16> -> vector<16xf32>
        %unpack3A_139 = tpu.unpack_subelements %add3A_138, 1 {pack_format = #tpu.pack_format<interleaved>} : vector<32xbf16> -> vector<16xf32>
        %swap3A = arith.index_cast %scan3A_124 : i32 to index
        %swap3A_140 = arith.constant 0 : index
        %swap3A_141 = tpu.vector_load %arg15[%swap3A, %swap3A_140] {strides = array<i32>} : memref<64x128xf32, #tpu.memory_space<vmem>>, vector<16xf32>,
        tpu.vector_store %arg15[%swap3A, %swap3A_140], %unpack3A {strides = array<i32>} : memref<64x128xf32, #tpu.memory_space<vmem>>, vector<16xf32>,
        %swap3A_142 = arith.index_cast %scan3A_124 : i32 to index
        %swap3A_143 = arith.constant 16 : index
        %swap3A_144 = tpu.vector_load %arg15[%swap3A_142, %swap3A_143] {strides = array<i32>} : memref<64x128xf32, #tpu.memory_space<vmem>>, vector<16xf32>,
        tpu.vector_store %arg15[%swap3A_142, %swap3A_143], %unpack3A_139 {strides = array<i32>} : memref<64x128xf32, #tpu.memory_space<vmem>>, vector<16xf32>,
        %get3A_145 = arith.index_cast %add3A_128 : i32 to index
        %get3A_146 = arith.constant 32 : index
        %get3A_147 = tpu.vector_load %arg11[%get3A_145, %get3A_146] {strides = array<i32>} : memref<128x64xbf16, #tpu.memory_space<vmem>>, vector<32xbf16>,
        %get3A_148 = arith.index_cast %add3A_128 : i32 to index
        %get3A_149 = arith.constant 32 : index
        %get3A_150 = tpu.vector_load %arg12[%get3A_148, %get3A_149] {strides = array<i32>} : memref<128x64xbf16, #tpu.memory_space<vmem>>, vector<32xbf16>,
        %add3A_151 = arith.addf %get3A_147, %get3A_150 : vector<32xbf16>
        %get3A_152 = arith.index_cast %add3A_128 : i32 to index
        %get3A_153 = arith.constant 32 : index
        %get3A_154 = tpu.vector_load %arg13[%get3A_152, %get3A_153] {strides = array<i32>} : memref<128x64xbf16, #tpu.memory_space<vmem>>, vector<32xbf16>,
        %add3A_155 = arith.addf %add3A_151, %get3A_154 : vector<32xbf16>
        %unpack3A_156 = tpu.unpack_subelements %add3A_155, 0 {pack_format = #tpu.pack_format<interleaved>} : vector<32xbf16> -> vector<16xf32>
        %unpack3A_157 = tpu.unpack_subelements %add3A_155, 1 {pack_format = #tpu.pack_format<interleaved>} : vector<32xbf16> -> vector<16xf32>
        %swap3A_158 = arith.index_cast %scan3A_124 : i32 to index
        %swap3A_159 = arith.constant 32 : index
        %swap3A_160 = tpu.vector_load %arg15[%swap3A_158, %swap3A_159] {strides = array<i32>} : memref<64x128xf32, #tpu.memory_space<vmem>>, vector<16xf32>,
        tpu.vector_store %arg15[%swap3A_158, %swap3A_159], %unpack3A_156 {strides = array<i32>} : memref<64x128xf32, #tpu.memory_space<vmem>>, vector<16xf32>,
        %swap3A_161 = arith.index_cast %scan3A_124 : i32 to index
        %swap3A_162 = arith.constant 48 : index
        %swap3A_163 = tpu.vector_load %arg15[%swap3A_161, %swap3A_162] {strides = array<i32>} : memref<64x128xf32, #tpu.memory_space<vmem>>, vector<16xf32>,
        tpu.vector_store %arg15[%swap3A_161, %swap3A_162], %unpack3A_157 {strides = array<i32>} : memref<64x128xf32, #tpu.memory_space<vmem>>, vector<16xf32>,
        %mul3A_164 = arith.constant 2 : i32
        %mul3A_165 = arith.muli %mul3A_164, %scan3A_124 : i32
        %add3A_166 = arith.constant 1 : i32
        %add3A_167 = arith.addi %mul3A_165, %add3A_166 : i32
        %get3A_168 = arith.index_cast %add3A_167 : i32 to index
        %get3A_169 = arith.constant 0 : index
        %get3A_170 = tpu.vector_load %arg11[%get3A_168, %get3A_169] {strides = array<i32>} : memref<128x64xbf16, #tpu.memory_space<vmem>>, vector<32xbf16>,
        %get3A_171 = arith.index_cast %add3A_167 : i32 to index
        %get3A_172 = arith.constant 0 : index
        %get3A_173 = tpu.vector_load %arg12[%get3A_171, %get3A_172] {strides = array<i32>} : memref<128x64xbf16, #tpu.memory_space<vmem>>, vector<32xbf16>,
        %add3A_174 = arith.addf %get3A_170, %get3A_173 : vector<32xbf16>
        %get3A_175 = arith.index_cast %add3A_167 : i32 to index
        %get3A_176 = arith.constant 0 : index
        %get3A_177 = tpu.vector_load %arg13[%get3A_175, %get3A_176] {strides = array<i32>} : memref<128x64xbf16, #tpu.memory_space<vmem>>, vector<32xbf16>,
        %add3A_178 = arith.addf %add3A_174, %get3A_177 : vector<32xbf16>
        %unpack3A_179 = tpu.unpack_subelements %add3A_178, 0 {pack_format = #tpu.pack_format<interleaved>} : vector<32xbf16> -> vector<16xf32>
        %unpack3A_180 = tpu.unpack_subelements %add3A_178, 1 {pack_format = #tpu.pack_format<interleaved>} : vector<32xbf16> -> vector<16xf32>
        %swap3A_181 = arith.index_cast %scan3A_124 : i32 to index
        %swap3A_182 = arith.constant 64 : index
        %swap3A_183 = tpu.vector_load %arg15[%swap3A_181, %swap3A_182] {strides = array<i32>} : memref<64x128xf32, #tpu.memory_space<vmem>>, vector<16xf32>,
        tpu.vector_store %arg15[%swap3A_181, %swap3A_182], %unpack3A_179 {strides = array<i32>} : memref<64x128xf32, #tpu.memory_space<vmem>>, vector<16xf32>,
        %swap3A_184 = arith.index_cast %scan3A_124 : i32 to index
        %swap3A_185 = arith.constant 80 : index
        %swap3A_186 = tpu.vector_load %arg15[%swap3A_184, %swap3A_185] {strides = array<i32>} : memref<64x128xf32, #tpu.memory_space<vmem>>, vector<16xf32>,
        tpu.vector_store %arg15[%swap3A_184, %swap3A_185], %unpack3A_180 {strides = array<i32>} : memref<64x128xf32, #tpu.memory_space<vmem>>, vector<16xf32>,
        %get3A_187 = arith.index_cast %add3A_167 : i32 to index
        %get3A_188 = arith.constant 32 : index
        %get3A_189 = tpu.vector_load %arg11[%get3A_187, %get3A_188] {strides = array<i32>} : memref<128x64xbf16, #tpu.memory_space<vmem>>, vector<32xbf16>,
        %get3A_190 = arith.index_cast %add3A_167 : i32 to index
        %get3A_191 = arith.constant 32 : index
        %get3A_192 = tpu.vector_load %arg12[%get3A_190, %get3A_191] {strides = array<i32>} : memref<128x64xbf16, #tpu.memory_space<vmem>>, vector<32xbf16>,
        %add3A_193 = arith.addf %get3A_189, %get3A_192 : vector<32xbf16>
        %get3A_194 = arith.index_cast %add3A_167 : i32 to index
        %get3A_195 = arith.constant 32 : index
        %get3A_196 = tpu.vector_load %arg13[%get3A_194, %get3A_195] {strides = array<i32>} : memref<128x64xbf16, #tpu.memory_space<vmem>>, vector<32xbf16>,
        %add3A_197 = arith.addf %add3A_193, %get3A_196 : vector<32xbf16>
        %unpack3A_198 = tpu.unpack_subelements %add3A_197, 0 {pack_format = #tpu.pack_format<interleaved>} : vector<32xbf16> -> vector<16xf32>
        %unpack3A_199 = tpu.unpack_subelements %add3A_197, 1 {pack_format = #tpu.pack_format<interleaved>} : vector<32xbf16> -> vector<16xf32>
        %swap3A_200 = arith.index_cast %scan3A_124 : i32 to index
        %swap3A_201 = arith.constant 96 : index
        %swap3A_202 = tpu.vector_load %arg15[%swap3A_200, %swap3A_201] {strides = array<i32>} : memref<64x128xf32, #tpu.memory_space<vmem>>, vector<16xf32>,
        tpu.vector_store %arg15[%swap3A_200, %swap3A_201], %unpack3A_198 {strides = array<i32>} : memref<64x128xf32, #tpu.memory_space<vmem>>, vector<16xf32>,
        %swap3A_203 = arith.index_cast %scan3A_124 : i32 to index
        %swap3A_204 = arith.constant 112 : index
        %swap3A_205 = tpu.vector_load %arg15[%swap3A_203, %swap3A_204] {strides = array<i32>} : memref<64x128xf32, #tpu.memory_space<vmem>>, vector<16xf32>,
        tpu.vector_store %arg15[%swap3A_203, %swap3A_204], %unpack3A_199 {strides = array<i32>} : memref<64x128xf32, #tpu.memory_space<vmem>>, vector<16xf32>,
        %scan3A_206 = arith.constant 1 : i32
        %scan3A_207 = arith.addi %scan3A_124, %scan3A_206 : i32
        %mul3A_208 = arith.constant 2 : i32
        %mul3A_209 = arith.muli %mul3A_208, %scan3A_207 : i32
        %add3A_210 = arith.constant 0 : i32
        %add3A_211 = arith.addi %mul3A_209, %add3A_210 : i32
        %get3A_212 = arith.index_cast %add3A_211 : i32 to index
        %get3A_213 = arith.constant 0 : index
        %get3A_214 = tpu.vector_load %arg11[%get3A_212, %get3A_213] {strides = array<i32>} : memref<128x64xbf16, #tpu.memory_space<vmem>>, vector<32xbf16>,
        %get3A_215 = arith.index_cast %add3A_211 : i32 to index
        %get3A_216 = arith.constant 0 : index
        %get3A_217 = tpu.vector_load %arg12[%get3A_215, %get3A_216] {strides = array<i32>} : memref<128x64xbf16, #tpu.memory_space<vmem>>, vector<32xbf16>,
        %add3A_218 = arith.addf %get3A_214, %get3A_217 : vector<32xbf16>
        %get3A_219 = arith.index_cast %add3A_211 : i32 to index
        %get3A_220 = arith.constant 0 : index
        %get3A_221 = tpu.vector_load %arg13[%get3A_219, %get3A_220] {strides = array<i32>} : memref<128x64xbf16, #tpu.memory_space<vmem>>, vector<32xbf16>,
        %add3A_222 = arith.addf %add3A_218, %get3A_221 : vector<32xbf16>
        %unpack3A_223 = tpu.unpack_subelements %add3A_222, 0 {pack_format = #tpu.pack_format<interleaved>} : vector<32xbf16> -> vector<16xf32>
        %unpack3A_224 = tpu.unpack_subelements %add3A_222, 1 {pack_format = #tpu.pack_format<interleaved>} : vector<32xbf16> -> vector<16xf32>
        %swap3A_225 = arith.index_cast %scan3A_207 : i32 to index
        %swap3A_226 = arith.constant 0 : index
        %swap3A_227 = tpu.vector_load %arg15[%swap3A_225, %swap3A_226] {strides = array<i32>} : memref<64x128xf32, #tpu.memory_space<vmem>>, vector<16xf32>,
        tpu.vector_store %arg15[%swap3A_225, %swap3A_226], %unpack3A_223 {strides = array<i32>} : memref<64x128xf32, #tpu.memory_space<vmem>>, vector<16xf32>,
        %swap3A_228 = arith.index_cast %scan3A_207 : i32 to index
        %swap3A_229 = arith.constant 16 : index
        %swap3A_230 = tpu.vector_load %arg15[%swap3A_228, %swap3A_229] {strides = array<i32>} : memref<64x128xf32, #tpu.memory_space<vmem>>, vector<16xf32>,
        tpu.vector_store %arg15[%swap3A_228, %swap3A_229], %unpack3A_224 {strides = array<i32>} : memref<64x128xf32, #tpu.memory_space<vmem>>, vector<16xf32>,
        %get3A_231 = arith.index_cast %add3A_211 : i32 to index
        %get3A_232 = arith.constant 32 : index
        %get3A_233 = tpu.vector_load %arg11[%get3A_231, %get3A_232] {strides = array<i32>} : memref<128x64xbf16, #tpu.memory_space<vmem>>, vector<32xbf16>,
        %get3A_234 = arith.index_cast %add3A_211 : i32 to index
        %get3A_235 = arith.constant 32 : index
        %get3A_236 = tpu.vector_load %arg12[%get3A_234, %get3A_235] {strides = array<i32>} : memref<128x64xbf16, #tpu.memory_space<vmem>>, vector<32xbf16>,
        %add3A_237 = arith.addf %get3A_233, %get3A_236 : vector<32xbf16>
        %get3A_238 = arith.index_cast %add3A_211 : i32 to index
        %get3A_239 = arith.constant 32 : index
        %get3A_240 = tpu.vector_load %arg13[%get3A_238, %get3A_239] {strides = array<i32>} : memref<128x64xbf16, #tpu.memory_space<vmem>>, vector<32xbf16>,
        %add3A_241 = arith.addf %add3A_237, %get3A_240 : vector<32xbf16>
        %unpack3A_242 = tpu.unpack_subelements %add3A_241, 0 {pack_format = #tpu.pack_format<interleaved>} : vector<32xbf16> -> vector<16xf32>
        %unpack3A_243 = tpu.unpack_subelements %add3A_241, 1 {pack_format = #tpu.pack_format<interleaved>} : vector<32xbf16> -> vector<16xf32>
        %swap3A_244 = arith.index_cast %scan3A_207 : i32 to index
        %swap3A_245 = arith.constant 32 : index
        %swap3A_246 = tpu.vector_load %arg15[%swap3A_244, %swap3A_245] {strides = array<i32>} : memref<64x128xf32, #tpu.memory_space<vmem>>, vector<16xf32>,
        tpu.vector_store %arg15[%swap3A_244, %swap3A_245], %unpack3A_242 {strides = array<i32>} : memref<64x128xf32, #tpu.memory_space<vmem>>, vector<16xf32>,
        %swap3A_247 = arith.index_cast %scan3A_207 : i32 to index
        %swap3A_248 = arith.constant 48 : index
        %swap3A_249 = tpu.vector_load %arg15[%swap3A_247, %swap3A_248] {strides = array<i32>} : memref<64x128xf32, #tpu.memory_space<vmem>>, vector<16xf32>,
        tpu.vector_store %arg15[%swap3A_247, %swap3A_248], %unpack3A_243 {strides = array<i32>} : memref<64x128xf32, #tpu.memory_space<vmem>>, vector<16xf32>,
        %mul3A_250 = arith.constant 2 : i32
        %mul3A_251 = arith.muli %mul3A_250, %scan3A_207 : i32
        %add3A_252 = arith.constant 1 : i32
        %add3A_253 = arith.addi %mul3A_251, %add3A_252 : i32
        %get3A_254 = arith.index_cast %add3A_253 : i32 to index
        %get3A_255 = arith.constant 0 : index
        %get3A_256 = tpu.vector_load %arg11[%get3A_254, %get3A_255] {strides = array<i32>} : memref<128x64xbf16, #tpu.memory_space<vmem>>, vector<32xbf16>,
        %get3A_257 = arith.index_cast %add3A_253 : i32 to index
        %get3A_258 = arith.constant 0 : index
        %get3A_259 = tpu.vector_load %arg12[%get3A_257, %get3A_258] {strides = array<i32>} : memref<128x64xbf16, #tpu.memory_space<vmem>>, vector<32xbf16>,
        %add3A_260 = arith.addf %get3A_256, %get3A_259 : vector<32xbf16>
        %get3A_261 = arith.index_cast %add3A_253 : i32 to index
        %get3A_262 = arith.constant 0 : index
        %get3A_263 = tpu.vector_load %arg13[%get3A_261, %get3A_262] {strides = array<i32>} : memref<128x64xbf16, #tpu.memory_space<vmem>>, vector<32xbf16>,
        %add3A_264 = arith.addf %add3A_260, %get3A_263 : vector<32xbf16>
        %unpack3A_265 = tpu.unpack_subelements %add3A_264, 0 {pack_format = #tpu.pack_format<interleaved>} : vector<32xbf16> -> vector<16xf32>
        %unpack3A_266 = tpu.unpack_subelements %add3A_264, 1 {pack_format = #tpu.pack_format<interleaved>} : vector<32xbf16> -> vector<16xf32>
        %swap3A_267 = arith.index_cast %scan3A_207 : i32 to index
        %swap3A_268 = arith.constant 64 : index
        %swap3A_269 = tpu.vector_load %arg15[%swap3A_267, %swap3A_268] {strides = array<i32>} : memref<64x128xf32, #tpu.memory_space<vmem>>, vector<16xf32>,
        tpu.vector_store %arg15[%swap3A_267, %swap3A_268], %unpack3A_265 {strides = array<i32>} : memref<64x128xf32, #tpu.memory_space<vmem>>, vector<16xf32>,
        %swap3A_270 = arith.index_cast %scan3A_207 : i32 to index
        %swap3A_271 = arith.constant 80 : index
        %swap3A_272 = tpu.vector_load %arg15[%swap3A_270, %swap3A_271] {strides = array<i32>} : memref<64x128xf32, #tpu.memory_space<vmem>>, vector<16xf32>,
        tpu.vector_store %arg15[%swap3A_270, %swap3A_271], %unpack3A_266 {strides = array<i32>} : memref<64x128xf32, #tpu.memory_space<vmem>>, vector<16xf32>,
        %get3A_273 = arith.index_cast %add3A_253 : i32 to index
        %get3A_274 = arith.constant 32 : index
        %get3A_275 = tpu.vector_load %arg11[%get3A_273, %get3A_274] {strides = array<i32>} : memref<128x64xbf16, #tpu.memory_space<vmem>>, vector<32xbf16>,
        %get3A_276 = arith.index_cast %add3A_253 : i32 to index
        %get3A_277 = arith.constant 32 : index
        %get3A_278 = tpu.vector_load %arg12[%get3A_276, %get3A_277] {strides = array<i32>} : memref<128x64xbf16, #tpu.memory_space<vmem>>, vector<32xbf16>,
        %add3A_279 = arith.addf %get3A_275, %get3A_278 : vector<32xbf16>
        %get3A_280 = arith.index_cast %add3A_253 : i32 to index
        %get3A_281 = arith.constant 32 : index
        %get3A_282 = tpu.vector_load %arg13[%get3A_280, %get3A_281] {strides = array<i32>} : memref<128x64xbf16, #tpu.memory_space<vmem>>, vector<32xbf16>,
        %add3A_283 = arith.addf %add3A_279, %get3A_282 : vector<32xbf16>
        %unpack3A_284 = tpu.unpack_subelements %add3A_283, 0 {pack_format = #tpu.pack_format<interleaved>} : vector<32xbf16> -> vector<16xf32>
        %unpack3A_285 = tpu.unpack_subelements %add3A_283, 1 {pack_format = #tpu.pack_format<interleaved>} : vector<32xbf16> -> vector<16xf32>
        %swap3A_286 = arith.index_cast %scan3A_207 : i32 to index
        %swap3A_287 = arith.constant 96 : index
        %swap3A_288 = tpu.vector_load %arg15[%swap3A_286, %swap3A_287] {strides = array<i32>} : memref<64x128xf32, #tpu.memory_space<vmem>>, vector<16xf32>,
        tpu.vector_store %arg15[%swap3A_286, %swap3A_287], %unpack3A_284 {strides = array<i32>} : memref<64x128xf32, #tpu.memory_space<vmem>>, vector<16xf32>,
        %swap3A_289 = arith.index_cast %scan3A_207 : i32 to index
        %swap3A_290 = arith.constant 112 : index
        %swap3A_291 = tpu.vector_load %arg15[%swap3A_289, %swap3A_290] {strides = array<i32>} : memref<64x128xf32, #tpu.memory_space<vmem>>, vector<16xf32>,
        tpu.vector_store %arg15[%swap3A_289, %swap3A_290], %unpack3A_285 {strides = array<i32>} : memref<64x128xf32, #tpu.memory_space<vmem>>, vector<16xf32>,
        %scan3A_292 = arith.constant 2 : i32
        %scan3A_293 = arith.addi %scan3A_124, %scan3A_292 : i32
        %mul3A_294 = arith.constant 2 : i32
        %mul3A_295 = arith.muli %mul3A_294, %scan3A_293 : i32
        %add3A_296 = arith.constant 0 : i32
        %add3A_297 = arith.addi %mul3A_295, %add3A_296 : i32
        %get3A_298 = arith.index_cast %add3A_297 : i32 to index
        %get3A_299 = arith.constant 0 : index
        %get3A_300 = tpu.vector_load %arg11[%get3A_298, %get3A_299] {strides = array<i32>} : memref<128x64xbf16, #tpu.memory_space<vmem>>, vector<32xbf16>,
        %get3A_301 = arith.index_cast %add3A_297 : i32 to index
        %get3A_302 = arith.constant 0 : index
        %get3A_303 = tpu.vector_load %arg12[%get3A_301, %get3A_302] {strides = array<i32>} : memref<128x64xbf16, #tpu.memory_space<vmem>>, vector<32xbf16>,
        %add3A_304 = arith.addf %get3A_300, %get3A_303 : vector<32xbf16>
        %get3A_305 = arith.index_cast %add3A_297 : i32 to index
        %get3A_306 = arith.constant 0 : index
        %get3A_307 = tpu.vector_load %arg13[%get3A_305, %get3A_306] {strides = array<i32>} : memref<128x64xbf16, #tpu.memory_space<vmem>>, vector<32xbf16>,
        %add3A_308 = arith.addf %add3A_304, %get3A_307 : vector<32xbf16>
        %unpack3A_309 = tpu.unpack_subelements %add3A_308, 0 {pack_format = #tpu.pack_format<interleaved>} : vector<32xbf16> -> vector<16xf32>
        %unpack3A_310 = tpu.unpack_subelements %add3A_308, 1 {pack_format = #tpu.pack_format<interleaved>} : vector<32xbf16> -> vector<16xf32>
        %swap3A_311 = arith.index_cast %scan3A_293 : i32 to index
        %swap3A_312 = arith.constant 0 : index
        %swap3A_313 = tpu.vector_load %arg15[%swap3A_311, %swap3A_312] {strides = array<i32>} : memref<64x128xf32, #tpu.memory_space<vmem>>, vector<16xf32>,
        tpu.vector_store %arg15[%swap3A_311, %swap3A_312], %unpack3A_309 {strides = array<i32>} : memref<64x128xf32, #tpu.memory_space<vmem>>, vector<16xf32>,
        %swap3A_314 = arith.index_cast %scan3A_293 : i32 to index
        %swap3A_315 = arith.constant 16 : index
        %swap3A_316 = tpu.vector_load %arg15[%swap3A_314, %swap3A_315] {strides = array<i32>} : memref<64x128xf32, #tpu.memory_space<vmem>>, vector<16xf32>,
        tpu.vector_store %arg15[%swap3A_314, %swap3A_315], %unpack3A_310 {strides = array<i32>} : memref<64x128xf32, #tpu.memory_space<vmem>>, vector<16xf32>,
        %get3A_317 = arith.index_cast %add3A_297 : i32 to index
        %get3A_318 = arith.constant 32 : index
        %get3A_319 = tpu.vector_load %arg11[%get3A_317, %get3A_318] {strides = array<i32>} : memref<128x64xbf16, #tpu.memory_space<vmem>>, vector<32xbf16>,
        %get3A_320 = arith.index_cast %add3A_297 : i32 to index
        %get3A_321 = arith.constant 32 : index
        %get3A_322 = tpu.vector_load %arg12[%get3A_320, %get3A_321] {strides = array<i32>} : memref<128x64xbf16, #tpu.memory_space<vmem>>, vector<32xbf16>,
        %add3A_323 = arith.addf %get3A_319, %get3A_322 : vector<32xbf16>
        %get3A_324 = arith.index_cast %add3A_297 : i32 to index
        %get3A_325 = arith.constant 32 : index
        %get3A_326 = tpu.vector_load %arg13[%get3A_324, %get3A_325] {strides = array<i32>} : memref<128x64xbf16, #tpu.memory_space<vmem>>, vector<32xbf16>,
        %add3A_327 = arith.addf %add3A_323, %get3A_326 : vector<32xbf16>
        %unpack3A_328 = tpu.unpack_subelements %add3A_327, 0 {pack_format = #tpu.pack_format<interleaved>} : vector<32xbf16> -> vector<16xf32>
        %unpack3A_329 = tpu.unpack_subelements %add3A_327, 1 {pack_format = #tpu.pack_format<interleaved>} : vector<32xbf16> -> vector<16xf32>
        %swap3A_330 = arith.index_cast %scan3A_293 : i32 to index
        %swap3A_331 = arith.constant 32 : index
        %swap3A_332 = tpu.vector_load %arg15[%swap3A_330, %swap3A_331] {strides = array<i32>} : memref<64x128xf32, #tpu.memory_space<vmem>>, vector<16xf32>,
        tpu.vector_store %arg15[%swap3A_330, %swap3A_331], %unpack3A_328 {strides = array<i32>} : memref<64x128xf32, #tpu.memory_space<vmem>>, vector<16xf32>,
        %swap3A_333 = arith.index_cast %scan3A_293 : i32 to index
        %swap3A_334 = arith.constant 48 : index
        %swap3A_335 = tpu.vector_load %arg15[%swap3A_333, %swap3A_334] {strides = array<i32>} : memref<64x128xf32, #tpu.memory_space<vmem>>, vector<16xf32>,
        tpu.vector_store %arg15[%swap3A_333, %swap3A_334], %unpack3A_329 {strides = array<i32>} : memref<64x128xf32, #tpu.memory_space<vmem>>, vector<16xf32>,
        %mul3A_336 = arith.constant 2 : i32
        %mul3A_337 = arith.muli %mul3A_336, %scan3A_293 : i32
        %add3A_338 = arith.constant 1 : i32
        %add3A_339 = arith.addi %mul3A_337, %add3A_338 : i32
        %get3A_340 = arith.index_cast %add3A_339 : i32 to index
        %get3A_341 = arith.constant 0 : index
        %get3A_342 = tpu.vector_load %arg11[%get3A_340, %get3A_341] {strides = array<i32>} : memref<128x64xbf16, #tpu.memory_space<vmem>>, vector<32xbf16>,
        %get3A_343 = arith.index_cast %add3A_339 : i32 to index
        %get3A_344 = arith.constant 0 : index
        %get3A_345 = tpu.vector_load %arg12[%get3A_343, %get3A_344] {strides = array<i32>} : memref<128x64xbf16, #tpu.memory_space<vmem>>, vector<32xbf16>,
        %add3A_346 = arith.addf %get3A_342, %get3A_345 : vector<32xbf16>
        %get3A_347 = arith.index_cast %add3A_339 : i32 to index
        %get3A_348 = arith.constant 0 : index
        %get3A_349 = tpu.vector_load %arg13[%get3A_347, %get3A_348] {strides = array<i32>} : memref<128x64xbf16, #tpu.memory_space<vmem>>, vector<32xbf16>,
        %add3A_350 = arith.addf %add3A_346, %get3A_349 : vector<32xbf16>
        %unpack3A_351 = tpu.unpack_subelements %add3A_350, 0 {pack_format = #tpu.pack_format<interleaved>} : vector<32xbf16> -> vector<16xf32>
        %unpack3A_352 = tpu.unpack_subelements %add3A_350, 1 {pack_format = #tpu.pack_format<interleaved>} : vector<32xbf16> -> vector<16xf32>
        %swap3A_353 = arith.index_cast %scan3A_293 : i32 to index
        %swap3A_354 = arith.constant 64 : index
        %swap3A_355 = tpu.vector_load %arg15[%swap3A_353, %swap3A_354] {strides = array<i32>} : memref<64x128xf32, #tpu.memory_space<vmem>>, vector<16xf32>,
        tpu.vector_store %arg15[%swap3A_353, %swap3A_354], %unpack3A_351 {strides = array<i32>} : memref<64x128xf32, #tpu.memory_space<vmem>>, vector<16xf32>,
        %swap3A_356 = arith.index_cast %scan3A_293 : i32 to index
        %swap3A_357 = arith.constant 80 : index
        %swap3A_358 = tpu.vector_load %arg15[%swap3A_356, %swap3A_357] {strides = array<i32>} : memref<64x128xf32, #tpu.memory_space<vmem>>, vector<16xf32>,
        tpu.vector_store %arg15[%swap3A_356, %swap3A_357], %unpack3A_352 {strides = array<i32>} : memref<64x128xf32, #tpu.memory_space<vmem>>, vector<16xf32>,
        %get3A_359 = arith.index_cast %add3A_339 : i32 to index
        %get3A_360 = arith.constant 32 : index
        %get3A_361 = tpu.vector_load %arg11[%get3A_359, %get3A_360] {strides = array<i32>} : memref<128x64xbf16, #tpu.memory_space<vmem>>, vector<32xbf16>,
        %get3A_362 = arith.index_cast %add3A_339 : i32 to index
        %get3A_363 = arith.constant 32 : index
        %get3A_364 = tpu.vector_load %arg12[%get3A_362, %get3A_363] {strides = array<i32>} : memref<128x64xbf16, #tpu.memory_space<vmem>>, vector<32xbf16>,
        %add3A_365 = arith.addf %get3A_361, %get3A_364 : vector<32xbf16>
        %get3A_366 = arith.index_cast %add3A_339 : i32 to index
        %get3A_367 = arith.constant 32 : index
        %get3A_368 = tpu.vector_load %arg13[%get3A_366, %get3A_367] {strides = array<i32>} : memref<128x64xbf16, #tpu.memory_space<vmem>>, vector<32xbf16>,
        %add3A_369 = arith.addf %add3A_365, %get3A_368 : vector<32xbf16>
        %unpack3A_370 = tpu.unpack_subelements %add3A_369, 0 {pack_format = #tpu.pack_format<interleaved>} : vector<32xbf16> -> vector<16xf32>
        %unpack3A_371 = tpu.unpack_subelements %add3A_369, 1 {pack_format = #tpu.pack_format<interleaved>} : vector<32xbf16> -> vector<16xf32>
        %swap3A_372 = arith.index_cast %scan3A_293 : i32 to index
        %swap3A_373 = arith.constant 96 : index
        %swap3A_374 = tpu.vector_load %arg15[%swap3A_372, %swap3A_373] {strides = array<i32>} : memref<64x128xf32, #tpu.memory_space<vmem>>, vector<16xf32>,
        tpu.vector_store %arg15[%swap3A_372, %swap3A_373], %unpack3A_370 {strides = array<i32>} : memref<64x128xf32, #tpu.memory_space<vmem>>, vector<16xf32>,
        %swap3A_375 = arith.index_cast %scan3A_293 : i32 to index
        %swap3A_376 = arith.constant 112 : index
        %swap3A_377 = tpu.vector_load %arg15[%swap3A_375, %swap3A_376] {strides = array<i32>} : memref<64x128xf32, #tpu.memory_space<vmem>>, vector<16xf32>,
        tpu.vector_store %arg15[%swap3A_375, %swap3A_376], %unpack3A_371 {strides = array<i32>} : memref<64x128xf32, #tpu.memory_space<vmem>>, vector<16xf32>,
        %scan3A_378 = arith.constant 3 : i32
        %scan3A_379 = arith.addi %scan3A_124, %scan3A_378 : i32
        %mul3A_380 = arith.constant 2 : i32
        %mul3A_381 = arith.muli %mul3A_380, %scan3A_379 : i32
        %add3A_382 = arith.constant 0 : i32
        %add3A_383 = arith.addi %mul3A_381, %add3A_382 : i32
        %get3A_384 = arith.index_cast %add3A_383 : i32 to index
        %get3A_385 = arith.constant 0 : index
        %get3A_386 = tpu.vector_load %arg11[%get3A_384, %get3A_385] {strides = array<i32>} : memref<128x64xbf16, #tpu.memory_space<vmem>>, vector<32xbf16>,
        %get3A_387 = arith.index_cast %add3A_383 : i32 to index
        %get3A_388 = arith.constant 0 : index
        %get3A_389 = tpu.vector_load %arg12[%get3A_387, %get3A_388] {strides = array<i32>} : memref<128x64xbf16, #tpu.memory_space<vmem>>, vector<32xbf16>,
        %add3A_390 = arith.addf %get3A_386, %get3A_389 : vector<32xbf16>
        %get3A_391 = arith.index_cast %add3A_383 : i32 to index
        %get3A_392 = arith.constant 0 : index
        %get3A_393 = tpu.vector_load %arg13[%get3A_391, %get3A_392] {strides = array<i32>} : memref<128x64xbf16, #tpu.memory_space<vmem>>, vector<32xbf16>,
        %add3A_394 = arith.addf %add3A_390, %get3A_393 : vector<32xbf16>
        %unpack3A_395 = tpu.unpack_subelements %add3A_394, 0 {pack_format = #tpu.pack_format<interleaved>} : vector<32xbf16> -> vector<16xf32>
        %unpack3A_396 = tpu.unpack_subelements %add3A_394, 1 {pack_format = #tpu.pack_format<interleaved>} : vector<32xbf16> -> vector<16xf32>
        %swap3A_397 = arith.index_cast %scan3A_379 : i32 to index
        %swap3A_398 = arith.constant 0 : index
        %swap3A_399 = tpu.vector_load %arg15[%swap3A_397, %swap3A_398] {strides = array<i32>} : memref<64x128xf32, #tpu.memory_space<vmem>>, vector<16xf32>,
        tpu.vector_store %arg15[%swap3A_397, %swap3A_398], %unpack3A_395 {strides = array<i32>} : memref<64x128xf32, #tpu.memory_space<vmem>>, vector<16xf32>,
        %swap3A_400 = arith.index_cast %scan3A_379 : i32 to index
        %swap3A_401 = arith.constant 16 : index
        %swap3A_402 = tpu.vector_load %arg15[%swap3A_400, %swap3A_401] {strides = array<i32>} : memref<64x128xf32, #tpu.memory_space<vmem>>, vector<16xf32>,
        tpu.vector_store %arg15[%swap3A_400, %swap3A_401], %unpack3A_396 {strides = array<i32>} : memref<64x128xf32, #tpu.memory_space<vmem>>, vector<16xf32>,
        %get3A_403 = arith.index_cast %add3A_383 : i32 to index
        %get3A_404 = arith.constant 32 : index
        %get3A_405 = tpu.vector_load %arg11[%get3A_403, %get3A_404] {strides = array<i32>} : memref<128x64xbf16, #tpu.memory_space<vmem>>, vector<32xbf16>,
        %get3A_406 = arith.index_cast %add3A_383 : i32 to index
        %get3A_407 = arith.constant 32 : index
        %get3A_408 = tpu.vector_load %arg12[%get3A_406, %get3A_407] {strides = array<i32>} : memref<128x64xbf16, #tpu.memory_space<vmem>>, vector<32xbf16>,
        %add3A_409 = arith.addf %get3A_405, %get3A_408 : vector<32xbf16>
        %get3A_410 = arith.index_cast %add3A_383 : i32 to index
        %get3A_411 = arith.constant 32 : index
        %get3A_412 = tpu.vector_load %arg13[%get3A_410, %get3A_411] {strides = array<i32>} : memref<128x64xbf16, #tpu.memory_space<vmem>>, vector<32xbf16>,
        %add3A_413 = arith.addf %add3A_409, %get3A_412 : vector<32xbf16>
        %unpack3A_414 = tpu.unpack_subelements %add3A_413, 0 {pack_format = #tpu.pack_format<interleaved>} : vector<32xbf16> -> vector<16xf32>
        %unpack3A_415 = tpu.unpack_subelements %add3A_413, 1 {pack_format = #tpu.pack_format<interleaved>} : vector<32xbf16> -> vector<16xf32>
        %swap3A_416 = arith.index_cast %scan3A_379 : i32 to index
        %swap3A_417 = arith.constant 32 : index
        %swap3A_418 = tpu.vector_load %arg15[%swap3A_416, %swap3A_417] {strides = array<i32>} : memref<64x128xf32, #tpu.memory_space<vmem>>, vector<16xf32>,
        tpu.vector_store %arg15[%swap3A_416, %swap3A_417], %unpack3A_414 {strides = array<i32>} : memref<64x128xf32, #tpu.memory_space<vmem>>, vector<16xf32>,
        %swap3A_419 = arith.index_cast %scan3A_379 : i32 to index
        %swap3A_420 = arith.constant 48 : index
        %swap3A_421 = tpu.vector_load %arg15[%swap3A_419, %swap3A_420] {strides = array<i32>} : memref<64x128xf32, #tpu.memory_space<vmem>>, vector<16xf32>,
        tpu.vector_store %arg15[%swap3A_419, %swap3A_420], %unpack3A_415 {strides = array<i32>} : memref<64x128xf32, #tpu.memory_space<vmem>>, vector<16xf32>,
        %mul3A_422 = arith.constant 2 : i32
        %mul3A_423 = arith.muli %mul3A_422, %scan3A_379 : i32
        %add3A_424 = arith.constant 1 : i32
        %add3A_425 = arith.addi %mul3A_423, %add3A_424 : i32
        %get3A_426 = arith.index_cast %add3A_425 : i32 to index
        %get3A_427 = arith.constant 0 : index
        %get3A_428 = tpu.vector_load %arg11[%get3A_426, %get3A_427] {strides = array<i32>} : memref<128x64xbf16, #tpu.memory_space<vmem>>, vector<32xbf16>,
        %get3A_429 = arith.index_cast %add3A_425 : i32 to index
        %get3A_430 = arith.constant 0 : index
        %get3A_431 = tpu.vector_load %arg12[%get3A_429, %get3A_430] {strides = array<i32>} : memref<128x64xbf16, #tpu.memory_space<vmem>>, vector<32xbf16>,
        %add3A_432 = arith.addf %get3A_428, %get3A_431 : vector<32xbf16>
        %get3A_433 = arith.index_cast %add3A_425 : i32 to index
        %get3A_434 = arith.constant 0 : index
        %get3A_435 = tpu.vector_load %arg13[%get3A_433, %get3A_434] {strides = array<i32>} : memref<128x64xbf16, #tpu.memory_space<vmem>>, vector<32xbf16>,
        %add3A_436 = arith.addf %add3A_432, %get3A_435 : vector<32xbf16>
        %unpack3A_437 = tpu.unpack_subelements %add3A_436, 0 {pack_format = #tpu.pack_format<interleaved>} : vector<32xbf16> -> vector<16xf32>
        %unpack3A_438 = tpu.unpack_subelements %add3A_436, 1 {pack_format = #tpu.pack_format<interleaved>} : vector<32xbf16> -> vector<16xf32>
        %swap3A_439 = arith.index_cast %scan3A_379 : i32 to index
        %swap3A_440 = arith.constant 64 : index
        %swap3A_441 = tpu.vector_load %arg15[%swap3A_439, %swap3A_440] {strides = array<i32>} : memref<64x128xf32, #tpu.memory_space<vmem>>, vector<16xf32>,
        tpu.vector_store %arg15[%swap3A_439, %swap3A_440], %unpack3A_437 {strides = array<i32>} : memref<64x128xf32, #tpu.memory_space<vmem>>, vector<16xf32>,
        %swap3A_442 = arith.index_cast %scan3A_379 : i32 to index
        %swap3A_443 = arith.constant 80 : index
        %swap3A_444 = tpu.vector_load %arg15[%swap3A_442, %swap3A_443] {strides = array<i32>} : memref<64x128xf32, #tpu.memory_space<vmem>>, vector<16xf32>,
        tpu.vector_store %arg15[%swap3A_442, %swap3A_443], %unpack3A_438 {strides = array<i32>} : memref<64x128xf32, #tpu.memory_space<vmem>>, vector<16xf32>,
        %get3A_445 = arith.index_cast %add3A_425 : i32 to index
        %get3A_446 = arith.constant 32 : index
        %get3A_447 = tpu.vector_load %arg11[%get3A_445, %get3A_446] {strides = array<i32>} : memref<128x64xbf16, #tpu.memory_space<vmem>>, vector<32xbf16>,
        %get3A_448 = arith.index_cast %add3A_425 : i32 to index
        %get3A_449 = arith.constant 32 : index
        %get3A_450 = tpu.vector_load %arg12[%get3A_448, %get3A_449] {strides = array<i32>} : memref<128x64xbf16, #tpu.memory_space<vmem>>, vector<32xbf16>,
        %add3A_451 = arith.addf %get3A_447, %get3A_450 : vector<32xbf16>
        %get3A_452 = arith.index_cast %add3A_425 : i32 to index
        %get3A_453 = arith.constant 32 : index
        %get3A_454 = tpu.vector_load %arg13[%get3A_452, %get3A_453] {strides = array<i32>} : memref<128x64xbf16, #tpu.memory_space<vmem>>, vector<32xbf16>,
        %add3A_455 = arith.addf %add3A_451, %get3A_454 : vector<32xbf16>
        %unpack3A_456 = tpu.unpack_subelements %add3A_455, 0 {pack_format = #tpu.pack_format<interleaved>} : vector<32xbf16> -> vector<16xf32>
        %unpack3A_457 = tpu.unpack_subelements %add3A_455, 1 {pack_format = #tpu.pack_format<interleaved>} : vector<32xbf16> -> vector<16xf32>
        %swap3A_458 = arith.index_cast %scan3A_379 : i32 to index
        %swap3A_459 = arith.constant 96 : index
        %swap3A_460 = tpu.vector_load %arg15[%swap3A_458, %swap3A_459] {strides = array<i32>} : memref<64x128xf32, #tpu.memory_space<vmem>>, vector<16xf32>,
        tpu.vector_store %arg15[%swap3A_458, %swap3A_459], %unpack3A_456 {strides = array<i32>} : memref<64x128xf32, #tpu.memory_space<vmem>>, vector<16xf32>,
        %swap3A_461 = arith.index_cast %scan3A_379 : i32 to index
        %swap3A_462 = arith.constant 112 : index
        %swap3A_463 = tpu.vector_load %arg15[%swap3A_461, %swap3A_462] {strides = array<i32>} : memref<64x128xf32, #tpu.memory_space<vmem>>, vector<16xf32>,
        tpu.vector_store %arg15[%swap3A_461, %swap3A_462], %unpack3A_457 {strides = array<i32>} : memref<64x128xf32, #tpu.memory_space<vmem>>, vector<16xf32>,
      }
      %scan3A_116 = arith.constant 64 : i32
      %mul3A_117 = arith.constant 64 : i32
      %mul3A_118 = arith.muli %add3A_37, %mul3A_117 : i32
      %add3A_119 = arith.addi %mul3A_2, %mul3A_118 : i32
      %dma_start3A_120 = arith.constant 0 : i32
      %dma_start3A_121 = tpu.memref_slice %arg6[%add3A_119, %dma_start3A_120] : memref<253952x128xf32, #tpu.memory_space<hbm>> -> memref<64x128xf32, #tpu.memory_space<hbm>>
      %dma_start3A_122 = arith.constant 0 : i32
      %dma_start3A_123 = tpu.memref_slice %arg6[%add3A_119, %dma_start3A_122] : memref<253952x128xf32, #tpu.memory_space<hbm>> -> memref<64x128xf32, #tpu.memory_space<hbm>>
      tpu.enqueue_dma source(%arg15 : memref<64x128xf32, #tpu.memory_space<vmem>>) target(%dma_start3A_123 : memref<64x128xf32, #tpu.memory_space<hbm>>) target_semaphore(%arg19 : memref<!tpu.dma_semaphore, #tpu.memory_space<semaphore_mem>>)
    }
    %scan3A_21 = arith.constant 62 : i32
    %dma_wait3A = arith.constant 0 : i32
    %dma_wait3A_22 = arith.constant 0 : i32
    %dma_wait3A_23 = tpu.memref_slice %arg6[%dma_wait3A, %dma_wait3A_22] : memref<253952x128xf32, #tpu.memory_space<hbm>> -> memref<64x128xf32, #tpu.memory_space<hbm>>
    %dma_wait3A_24 = arith.constant 0 : i32
    %dma_wait3A_25 = arith.constant 0 : i32
    %dma_wait3A_26 = tpu.memref_slice %arg6[%dma_wait3A_24, %dma_wait3A_25] : memref<253952x128xf32, #tpu.memory_space<hbm>> -> memref<64x128xf32, #tpu.memory_space<hbm>>
    tpu.wait_dma2 semaphore(%arg18 : memref<!tpu.dma_semaphore, #tpu.memory_space<semaphore_mem>>) src(%arg14 : memref<64x128xf32, #tpu.memory_space<vmem>>) dst(%dma_wait3A_26 : memref<64x128xf32, #tpu.memory_space<hbm>>)
    %dma_wait3A_27 = arith.constant 0 : i32
    %dma_wait3A_28 = arith.constant 0 : i32
    %dma_wait3A_29 = tpu.memref_slice %arg6[%dma_wait3A_27, %dma_wait3A_28] : memref<253952x128xf32, #tpu.memory_space<hbm>> -> memref<64x128xf32, #tpu.memory_space<hbm>>
    %dma_wait3A_30 = arith.constant 0 : i32
    %dma_wait3A_31 = arith.constant 0 : i32
    %dma_wait3A_32 = tpu.memref_slice %arg6[%dma_wait3A_30, %dma_wait3A_31] : memref<253952x128xf32, #tpu.memory_space<hbm>> -> memref<64x128xf32, #tpu.memory_space<hbm>>
    tpu.wait_dma2 semaphore(%arg19 : memref<!tpu.dma_semaphore, #tpu.memory_space<semaphore_mem>>) src(%arg15 : memref<64x128xf32, #tpu.memory_space<vmem>>) dst(%dma_wait3A_32 : memref<64x128xf32, #tpu.memory_space<hbm>>)
    return
  }
}

module attributes {stable_mosaic.version = 14 : i64} {
  func.func @_atom_tables_body(%arg0: i32, %arg1: memref<10000x64xf32, #tpu.memory_space<vmem>>, %arg2: memref<64x64xf32, #tpu.memory_space<vmem>>, %arg3: memref<64x64xf32, #tpu.memory_space<vmem>>, %arg4: memref<10000x64xbf16, #tpu.memory_space<vmem>>, %arg5: memref<10000x64xbf16, #tpu.memory_space<vmem>>) attributes {dimension_semantics = [#tpu.dimension_semantics<arbitrary>], iteration_bounds = array<i64: 10>, scalar_prefetch = 0 : i64, scratch_operands = 0 : i64, tpu.core_type = #tpu.core_type<tc>, window_params = [{transform_indices = @transform_0, window_bounds = array<i64: 10000, 64>}, {pipeline_mode = #tpu.pipeline_mode<synchronous>, transform_indices = @transform_1, window_bounds = array<i64: 64, 64>}, {pipeline_mode = #tpu.pipeline_mode<synchronous>, transform_indices = @transform_2, window_bounds = array<i64: 64, 64>}, {transform_indices = @transform_3, window_bounds = array<i64: 10000, 64>}, {transform_indices = @transform_4, window_bounds = array<i64: 10000, 64>}]} {
    %get3A = arith.constant 0 : index
    %get3A_0 = arith.constant 0 : index
    %get3A_1 = vector.load %arg1[%get3A, %get3A_0] : memref<10000x64xf32, #tpu.memory_space<vmem>>, vector<10000x64xf32>
    %get3A_2 = arith.constant 0 : index
    %get3A_3 = arith.constant 0 : index
    %get3A_4 = vector.load %arg2[%get3A_2, %get3A_3] : memref<64x64xf32, #tpu.memory_space<vmem>>, vector<64x64xf32>
    %dot_general3A = arith.constant dense<0.000000e+00> : vector<10000x64xf32>
    %dot_general3A_5 = tpu.matmul %get3A_1, %get3A_4, %dot_general3A {dimension_numbers = #tpu.dot_dimension_numbers<[1], [0], [0], [1], [0, 0, 1, 1], [], []>, transpose_lhs_hint = false} : vector<10000x64xf32>, vector<64x64xf32>, vector<10000x64xf32> -> vector<10000x64xf32>
    %convert_element_type3A = arith.truncf %dot_general3A_5 : vector<10000x64xf32> to vector<10000x64xbf16>
    %swap3A = arith.constant 0 : index
    %swap3A_6 = arith.constant 0 : index
    %swap3A_7 = vector.load %arg4[%swap3A, %swap3A_6] : memref<10000x64xbf16, #tpu.memory_space<vmem>>, vector<10000x64xbf16>
    tpu.vector_store %arg4[%swap3A, %swap3A_6], %convert_element_type3A {strides = array<i32>} : memref<10000x64xbf16, #tpu.memory_space<vmem>>, vector<10000x64xbf16>,
    %get3A_8 = arith.constant 0 : index
    %get3A_9 = arith.constant 0 : index
    %get3A_10 = vector.load %arg3[%get3A_8, %get3A_9] : memref<64x64xf32, #tpu.memory_space<vmem>>, vector<64x64xf32>
    %dot_general3A_11 = arith.constant dense<0.000000e+00> : vector<10000x64xf32>
    %dot_general3A_12 = tpu.matmul %get3A_1, %get3A_10, %dot_general3A_11 {dimension_numbers = #tpu.dot_dimension_numbers<[1], [0], [0], [1], [0, 0, 1, 1], [], []>, transpose_lhs_hint = false} : vector<10000x64xf32>, vector<64x64xf32>, vector<10000x64xf32> -> vector<10000x64xf32>
    %convert_element_type3A_13 = arith.truncf %dot_general3A_12 : vector<10000x64xf32> to vector<10000x64xbf16>
    %swap3A_14 = arith.constant 0 : index
    %swap3A_15 = arith.constant 0 : index
    %swap3A_16 = vector.load %arg5[%swap3A_14, %swap3A_15] : memref<10000x64xbf16, #tpu.memory_space<vmem>>, vector<10000x64xbf16>
    tpu.vector_store %arg5[%swap3A_14, %swap3A_15], %convert_element_type3A_13 {strides = array<i32>} : memref<10000x64xbf16, #tpu.memory_space<vmem>>, vector<10000x64xbf16>,
    return
  }
  func.func @transform_0(%arg0: i32) -> (i32, i32) {
    %c0_i32 = arith.constant 0 : i32
    %c0_i32_0 = arith.constant 0 : i32
    return %arg0, %c0_i32 : i32, i32
  }
  func.func @transform_1(%arg0: i32) -> (i32, i32) {
    %c0_i32 = arith.constant 0 : i32
    %c0_i32_0 = arith.constant 0 : i32
    %c0_i32_1 = arith.constant 0 : i32
    return %c0_i32, %c0_i32_0 : i32, i32
  }
  func.func @transform_2(%arg0: i32) -> (i32, i32) {
    %c0_i32 = arith.constant 0 : i32
    %c0_i32_0 = arith.constant 0 : i32
    %c0_i32_1 = arith.constant 0 : i32
    return %c0_i32, %c0_i32_0 : i32, i32
  }
  func.func @transform_3(%arg0: i32) -> (i32, i32) {
    %c0_i32 = arith.constant 0 : i32
    %c0_i32_0 = arith.constant 0 : i32
    return %arg0, %c0_i32 : i32, i32
  }
  func.func @transform_4(%arg0: i32) -> (i32, i32) {
    %c0_i32 = arith.constant 0 : i32
    %c0_i32_0 = arith.constant 0 : i32
    return %arg0, %c0_i32 : i32, i32
  }
}

module attributes {stable_mosaic.version = 14 : i64} {
  func.func @_glob_table_body(%arg0: memref<1024x64xf32, #tpu.memory_space<vmem>>, %arg1: memref<64x64xf32, #tpu.memory_space<vmem>>, %arg2: memref<1x64xf32, #tpu.memory_space<vmem>>, %arg3: memref<1024x64xbf16, #tpu.memory_space<vmem>>) attributes {dimension_semantics = [], scalar_prefetch = 0 : i64, scratch_operands = 0 : i64, tpu.core_type = #tpu.core_type<tc>} {
    %get3A = arith.constant 0 : index
    %get3A_0 = arith.constant 0 : index
    %get3A_1 = vector.load %arg0[%get3A, %get3A_0] : memref<1024x64xf32, #tpu.memory_space<vmem>>, vector<1024x64xf32>
    %get3A_2 = arith.constant 0 : index
    %get3A_3 = arith.constant 0 : index
    %get3A_4 = vector.load %arg1[%get3A_2, %get3A_3] : memref<64x64xf32, #tpu.memory_space<vmem>>, vector<64x64xf32>
    %dot_general3A = arith.constant dense<0.000000e+00> : vector<1024x64xf32>
    %dot_general3A_5 = tpu.matmul %get3A_1, %get3A_4, %dot_general3A {dimension_numbers = #tpu.dot_dimension_numbers<[1], [0], [0], [1], [0, 0, 1, 1], [], []>, transpose_lhs_hint = false} : vector<1024x64xf32>, vector<64x64xf32>, vector<1024x64xf32> -> vector<1024x64xf32>
    %get3A_6 = arith.constant 0 : index
    %get3A_7 = arith.constant 0 : index
    %get3A_8 = vector.load %arg2[%get3A_6, %get3A_7] : memref<1x64xf32, #tpu.memory_space<vmem>>, vector<1x64xf32>
    %add3A = vector.broadcast %get3A_8 : vector<1x64xf32> to vector<1024x64xf32>
    %add3A_9 = arith.addf %dot_general3A_5, %add3A : vector<1024x64xf32>
    %convert_element_type3A = arith.truncf %add3A_9 : vector<1024x64xf32> to vector<1024x64xbf16>
    %swap3A = arith.constant 0 : index
    %swap3A_10 = arith.constant 0 : index
    %swap3A_11 = vector.load %arg3[%swap3A, %swap3A_10] : memref<1024x64xbf16, #tpu.memory_space<vmem>>, vector<1024x64xbf16>
    tpu.vector_store %arg3[%swap3A, %swap3A_10], %convert_element_type3A {strides = array<i32>} : memref<1024x64xbf16, #tpu.memory_space<vmem>>, vector<1024x64xbf16>,
    return
  }
}

module attributes {stable_mosaic.version = 14 : i64} {
  func.func @_mlp_body(%arg0: i32, %arg1: memref<2048x128xf32, #tpu.memory_space<vmem>>, %arg2: memref<2048x128xf32, #tpu.memory_space<vmem>>, %arg3: memref<128x128xf32, #tpu.memory_space<vmem>>, %arg4: memref<128x128xf32, #tpu.memory_space<vmem>>, %arg5: memref<1x128xf32, #tpu.memory_space<vmem>>, %arg6: memref<128x64xf32, #tpu.memory_space<vmem>>, %arg7: memref<64x1xf32, #tpu.memory_space<vmem>>, %arg8: memref<32x2048xf32, #tpu.memory_space<vmem>>, %arg9: memref<32x2048xf32, #tpu.memory_space<vmem>>) attributes {dimension_semantics = [#tpu.dimension_semantics<arbitrary>], iteration_bounds = array<i64: 123>, scalar_prefetch = 0 : i64, scratch_operands = 0 : i64, tpu.core_type = #tpu.core_type<tc>, window_params = [{transform_indices = @transform_0, window_bounds = array<i64: 2048, 128>}, {transform_indices = @transform_1, window_bounds = array<i64: 2048, 128>}, {pipeline_mode = #tpu.pipeline_mode<synchronous>, transform_indices = @transform_2, window_bounds = array<i64: 128, 128>}, {pipeline_mode = #tpu.pipeline_mode<synchronous>, transform_indices = @transform_3, window_bounds = array<i64: 128, 128>}, {pipeline_mode = #tpu.pipeline_mode<synchronous>, transform_indices = @transform_4, window_bounds = array<i64: 1, 128>}, {pipeline_mode = #tpu.pipeline_mode<synchronous>, transform_indices = @transform_5, window_bounds = array<i64: 128, 64>}, {pipeline_mode = #tpu.pipeline_mode<synchronous>, transform_indices = @transform_6, window_bounds = array<i64: 64, 1>}, {transform_indices = @transform_7, window_bounds = array<i64: 32, 2048>}, {transform_indices = @transform_8, window_bounds = array<i64: 32, 2048>}]} {
    %get3A = arith.constant 0 : index
    %get3A_0 = arith.constant 0 : index
    %get3A_1 = vector.load %arg1[%get3A, %get3A_0] : memref<2048x128xf32, #tpu.memory_space<vmem>>, vector<2048x128xf32>
    %get3A_2 = arith.constant 0 : index
    %get3A_3 = arith.constant 0 : index
    %get3A_4 = vector.load %arg3[%get3A_2, %get3A_3] : memref<128x128xf32, #tpu.memory_space<vmem>>, vector<128x128xf32>
    %dot_general3A = arith.constant dense<0.000000e+00> : vector<2048x128xf32>
    %dot_general3A_5 = tpu.matmul %get3A_1, %get3A_4, %dot_general3A {dimension_numbers = #tpu.dot_dimension_numbers<[1], [0], [0], [1], [0, 0, 1, 1], [], []>, transpose_lhs_hint = false} : vector<2048x128xf32>, vector<128x128xf32>, vector<2048x128xf32> -> vector<2048x128xf32>
    %get3A_6 = arith.constant 0 : index
    %get3A_7 = arith.constant 0 : index
    %get3A_8 = vector.load %arg2[%get3A_6, %get3A_7] : memref<2048x128xf32, #tpu.memory_space<vmem>>, vector<2048x128xf32>
    %add3A = arith.addf %dot_general3A_5, %get3A_8 : vector<2048x128xf32>
    %max3A = arith.constant 0.000000e+00 : f32
    %max3A_9 = vector.broadcast %max3A : f32 to vector<2048x128xf32>
    %max3A_10 = arith.maximumf %add3A, %max3A_9 : vector<2048x128xf32>
    %abs3A = math.absf %add3A : vector<2048x128xf32>
    %neg3A = arith.constant 0.000000e+00 : f32
    %neg3A_11 = vector.broadcast %neg3A : f32 to vector<2048x128xf32>
    %neg3A_12 = arith.subf %neg3A_11, %abs3A : vector<2048x128xf32>
    %exp3A = math.exp %neg3A_12 : vector<2048x128xf32>
    %log1p3A = math.log1p %exp3A : vector<2048x128xf32>
    %add3A_13 = arith.addf %max3A_10, %log1p3A : vector<2048x128xf32>
    %get3A_14 = arith.constant 0 : index
    %get3A_15 = arith.constant 0 : index
    %get3A_16 = vector.load %arg4[%get3A_14, %get3A_15] : memref<128x128xf32, #tpu.memory_space<vmem>>, vector<128x128xf32>
    %dot_general3A_17 = arith.constant dense<0.000000e+00> : vector<2048x128xf32>
    %dot_general3A_18 = tpu.matmul %add3A_13, %get3A_16, %dot_general3A_17 {dimension_numbers = #tpu.dot_dimension_numbers<[1], [0], [0], [1], [0, 0, 1, 1], [], []>, transpose_lhs_hint = false} : vector<2048x128xf32>, vector<128x128xf32>, vector<2048x128xf32> -> vector<2048x128xf32>
    %get3A_19 = arith.constant 0 : index
    %get3A_20 = arith.constant 0 : index
    %get3A_21 = vector.load %arg5[%get3A_19, %get3A_20] : memref<1x128xf32, #tpu.memory_space<vmem>>, vector<1x128xf32>
    %add3A_22 = vector.broadcast %get3A_21 : vector<1x128xf32> to vector<2048x128xf32>
    %add3A_23 = arith.addf %dot_general3A_18, %add3A_22 : vector<2048x128xf32>
    %max3A_24 = arith.constant 0.000000e+00 : f32
    %max3A_25 = vector.broadcast %max3A_24 : f32 to vector<2048x128xf32>
    %max3A_26 = arith.maximumf %add3A_23, %max3A_25 : vector<2048x128xf32>
    %abs3A_27 = math.absf %add3A_23 : vector<2048x128xf32>
    %neg3A_28 = arith.constant 0.000000e+00 : f32
    %neg3A_29 = vector.broadcast %neg3A_28 : f32 to vector<2048x128xf32>
    %neg3A_30 = arith.subf %neg3A_29, %abs3A_27 : vector<2048x128xf32>
    %exp3A_31 = math.exp %neg3A_30 : vector<2048x128xf32>
    %log1p3A_32 = math.log1p %exp3A_31 : vector<2048x128xf32>
    %add3A_33 = arith.addf %max3A_26, %log1p3A_32 : vector<2048x128xf32>
    %get3A_34 = arith.constant 0 : index
    %get3A_35 = arith.constant 0 : index
    %get3A_36 = vector.load %arg6[%get3A_34, %get3A_35] : memref<128x64xf32, #tpu.memory_space<vmem>>, vector<128x64xf32>
    %dot_general3A_37 = arith.constant dense<0.000000e+00> : vector<64x2048xf32>
    %dot_general3A_38 = tpu.matmul %get3A_36, %add3A_33, %dot_general3A_37 {dimension_numbers = #tpu.dot_dimension_numbers<[0], [1], [1], [0], [0, 1, 1, 0], [], []>, transpose_lhs_hint = false} : vector<128x64xf32>, vector<2048x128xf32>, vector<64x2048xf32> -> vector<64x2048xf32>
    %get3A_39 = arith.constant 0 : index
    %get3A_40 = arith.constant 0 : index
    %get3A_41 = vector.load %arg7[%get3A_39, %get3A_40] : memref<64x1xf32, #tpu.memory_space<vmem>>, vector<64x1xf32>
    %add3A_42 = vector.broadcast %get3A_41 : vector<64x1xf32> to vector<64x2048xf32>
    %add3A_43 = arith.addf %dot_general3A_38, %add3A_42 : vector<64x2048xf32>
    %slice3A = vector.extract_strided_slice %add3A_43 {offsets = [0, 0], sizes = [32, 2048], strides = [1, 1]} : vector<64x2048xf32> to vector<32x2048xf32>
    %swap3A = arith.constant 0 : index
    %swap3A_44 = arith.constant 0 : index
    %swap3A_45 = vector.load %arg8[%swap3A, %swap3A_44] : memref<32x2048xf32, #tpu.memory_space<vmem>>, vector<32x2048xf32>
    tpu.vector_store %arg8[%swap3A, %swap3A_44], %slice3A {strides = array<i32>} : memref<32x2048xf32, #tpu.memory_space<vmem>>, vector<32x2048xf32>,
    %slice3A_46 = vector.extract_strided_slice %add3A_43 {offsets = [32, 0], sizes = [32, 2048], strides = [1, 1]} : vector<64x2048xf32> to vector<32x2048xf32>
    %swap3A_47 = arith.constant 0 : index
    %swap3A_48 = arith.constant 0 : index
    %swap3A_49 = vector.load %arg9[%swap3A_47, %swap3A_48] : memref<32x2048xf32, #tpu.memory_space<vmem>>, vector<32x2048xf32>
    tpu.vector_store %arg9[%swap3A_47, %swap3A_48], %slice3A_46 {strides = array<i32>} : memref<32x2048xf32, #tpu.memory_space<vmem>>, vector<32x2048xf32>,
    return
  }
  func.func @transform_0(%arg0: i32) -> (i32, i32) {
    %c0_i32 = arith.constant 0 : i32
    %c0_i32_0 = arith.constant 0 : i32
    return %arg0, %c0_i32 : i32, i32
  }
  func.func @transform_1(%arg0: i32) -> (i32, i32) {
    %c0_i32 = arith.constant 0 : i32
    %c0_i32_0 = arith.constant 0 : i32
    return %arg0, %c0_i32 : i32, i32
  }
  func.func @transform_2(%arg0: i32) -> (i32, i32) {
    %c0_i32 = arith.constant 0 : i32
    %c0_i32_0 = arith.constant 0 : i32
    %c0_i32_1 = arith.constant 0 : i32
    return %c0_i32, %c0_i32_0 : i32, i32
  }
  func.func @transform_3(%arg0: i32) -> (i32, i32) {
    %c0_i32 = arith.constant 0 : i32
    %c0_i32_0 = arith.constant 0 : i32
    %c0_i32_1 = arith.constant 0 : i32
    return %c0_i32, %c0_i32_0 : i32, i32
  }
  func.func @transform_4(%arg0: i32) -> (i32, i32) {
    %c0_i32 = arith.constant 0 : i32
    %c0_i32_0 = arith.constant 0 : i32
    %c0_i32_1 = arith.constant 0 : i32
    return %c0_i32, %c0_i32_0 : i32, i32
  }
  func.func @transform_5(%arg0: i32) -> (i32, i32) {
    %c0_i32 = arith.constant 0 : i32
    %c0_i32_0 = arith.constant 0 : i32
    %c0_i32_1 = arith.constant 0 : i32
    return %c0_i32, %c0_i32_0 : i32, i32
  }
  func.func @transform_6(%arg0: i32) -> (i32, i32) {
    %c0_i32 = arith.constant 0 : i32
    %c0_i32_0 = arith.constant 0 : i32
    %c0_i32_1 = arith.constant 0 : i32
    return %c0_i32, %c0_i32_0 : i32, i32
  }
  func.func @transform_7(%arg0: i32) -> (i32, i32) {
    %c0_i32 = arith.constant 0 : i32
    %c0_i32_0 = arith.constant 0 : i32
    return %c0_i32, %arg0 : i32, i32
  }
  func.func @transform_8(%arg0: i32) -> (i32, i32) {
    %c0_i32 = arith.constant 0 : i32
    %c0_i32_0 = arith.constant 0 : i32
    return %c0_i32, %arg0 : i32, i32
  }
}

</mosaic_0001>

<sc_bundles>
// kernel: kernel.6.cloned.1.call-start
scs
__scs_entry_jumppad:
0x0: {  	(pc) =	sbr.rel $0x88, $3  }
0x1: {  	(tag) =	ssettag $0x0;
	lr =	simm.s32 $0x1  }
0x2: {  	[smem:$0x3F96] =	sst lr;
	_ =	strace $0xD0000000  }
0x3: {  	_ = 	snop  }
0x4: {  	_ = 	snop  }
0x5: {  	_ = 	snop  }
0x6: {  	_ = 	snop  }
0x7: {  	_ = 	snop  }
__scs_overlays_trampoline_lowered:
0x8: {  	[smem:$0x3FA5] =	sst s0  }
0x9: {  	[smem:$0x3FA6] =	sst s1  }
0xa: {  	[smem:$0x3FA7] =	sst s2  }
0xb: {  	[smem:$0x3FA8] =	sst s3  }
0xc: {  	[smem:$0x3FA9] =	sst s4  }
0xd: {  	[smem:$0x3FAA] =	sst s5  }
0xe: {  	[smem:$0x3FAB] =	sst s6  }
0xf: {  	[smem:$0x3FAC] =	sst s7  }
0x10: {  	[smem:$0x3FAD] =	sst s8  }
0x11: {  	[smem:$0x3FAE] =	sst s9;
	s0 =	simm.s32 @!p0 $0x0  }
0x12: {  	s1 =	sld [smem:$0x3F94];
	s0 =	simm.s32 @p0 $0x1  }
0x13: {  	[smem:$0x3FAF] =	sst s0;
	s0 =	simm.s32 @!p1 $0x0  }
0x14: {  	s2 =	sld [smem:$0x3F93];
	s0 =	simm.s32 @p1 $0x1  }
0x15: {  	[smem:$0x3FB0] =	sst s0;
	s0 =	simm.s32 @!p2 $0x0  }
0x16: {  	s3 =	sld [smem:$0x3FDB];
	s0 =	simm.s32 @p2 $0x1  }
0x17: {  	s4 =	simm.s32 $0x1BF5;
	[smem:$0x3FB2] =	sst s0  }
0x18: {  	s0 =	sld [smem:$0x3F95];
	_ =	swait.ge [sflag:s4], $0x0  }
0x19: {  	s7 =	sld [smem:$0x3F96]  }
0x1a: {  	s8 =	sadd.s32 $0xFFFFE003, lr  }
0x1b: {  	s9 =	sadd.s32 $0xFFFFFEF7, lr;
	s5 =	simm.s32 $0xFFFFFFFF;
	p2 =	slt.u32 s8, $0xFFFFF086  }
0x1c: {  	p1 =	slt.u32 s9, $0xF7A;
	s5 =	simm.s32 @!p2 $0x0  }
0x1d: {  	s5 =	simm.s32 @p1 $0x1;
	p0 =	seq.s32 s7, s2  }
0x1e: {  	s7 =	smul.u32 @!p0 $0xF7A, s2;
	p2 =	seq.s32 @!p0 s5, $0x0  }
0x1f: {  	s9 =	smul.u32 $0xF7A, s1;
	s8 =	simm.s32 @!p0 $0x1BF5;
	p2 =	por !p2, p0  }
0x20: {  	[sflag:s8] =	ssyncset.s32 @!p0 $0xFFFFF086;
	s6 =	sadd.s32 @!p0 s3, s7;
	s7 =	simm.s32 @!p0 $0x108  }
0x21: {  	s3 =	sadd.s32 s3, s9;
	s6 =	sadd.s32 @!p0 $0x88, s6;
	s7 =	simm.s32 @p2 $0x1082  }
0x22: {  	[simem:s7], [sflag:s8] =	dma.local @!p0 [hbm:s6], $0xF7A  }
0x23: {  	s9 =	sor.u32 $0xD0000000, s2;
	s6 =	simm.s32 $0x108;
	_ =	swait.ge @!p0 [sflag:s8], $0x0  }
0x24: {  	s3 =	sadd.s32 $0x88, s3;
	s6 =	simm.s32 @!p1 $0x1082;
	[sflag:s4] =	ssyncset.s32 $0xFFFFF086  }
0x25: {  	[simem:s6], [sflag:s4] =	dma.local [hbm:s3], $0xF7A  }
0x26: {  	[smem:$0x3F96] =	sst s1;
	(tag) =	ssettag s2;
	_ =	strace s9  }
0x27: {  	s1 =	sld [smem:$0x3FA6]  }
0x28: {  	s2 =	sld [smem:$0x3FA7]  }
0x29: {  	s4 =	sld [smem:$0x3FA9]  }
0x2a: {  	p0 =	seq.s32 s5, $0x0;
	s5 =	sld [smem:$0x3FAA]  }
0x2b: {  	s6 =	sld [smem:$0x3FAB]  }
0x2c: {  	s7 =	sld [smem:$0x3FAC]  }
0x2d: {  	s3 =	simm.s32 $0x108;
	s8 =	sld [smem:$0x3FAD]  }
0x2e: {  	s3 =	simm.s32 @!p0 $0x1082;
	s9 =	sld [smem:$0x3FAE]  }
0x2f: {  	lr =	sadd.s32 s0, s3;
	s0 =	sld [smem:$0x3FA5]  }
0x30: {  	s3 =	sld [smem:$0x3FA8]  }
0x31: {  	[smem:$0x3FB1] =	sst s10  }
0x32: {  	s10 =	sld [smem:$0x3FAF];
	_ =	sdelay $0x3  }
0x33: {  	p0 =	seq.s32 s10, $0x1;
	s10 =	sld [smem:$0x3FB1];
	_ =	sdelay $0x3  }
0x34: {  	[smem:$0x3FB1] =	sst s10  }
0x35: {  	s10 =	sld [smem:$0x3FB0];
	_ =	sdelay $0x3  }
0x36: {  	p1 =	seq.s32 s10, $0x1;
	s10 =	sld [smem:$0x3FB1];
	_ =	sdelay $0x3  }
0x37: {  	[smem:$0x3FB1] =	sst s10  }
0x38: {  	s10 =	sld [smem:$0x3FB2]  }
0x39: {  	_ = 	snop;
	(pc) =	sbr.ind lr, $3  }
0x3a: {  	_ = 	snop  }
0x3b: {  	_ = 	snop  }
0x3c: {  	p2 =	seq.s32 s10, $0x1;
	s10 =	sld [smem:$0x3FB1]  }
0x3d: {  	_ =	shalt  }
0x3e: {  	_ =	shalt  }
0x3f: {  	_ =	shalt  }
0x40: {  	_ =	shalt  }
0x41: {  	_ =	shalt  }
0x42: {  	_ =	shalt  }
0x43: {  	_ =	shalt  }
0x44: {  	_ =	shalt  }
0x45: {  	_ =	shalt  }
0x46: {  	_ =	shalt  }
0x47: {  	_ =	shalt  }
0x48: {  	_ =	shalt  }
0x49: {  	_ =	shalt  }
0x4a: {  	_ =	shalt  }
0x4b: {  	_ =	shalt  }
0x4c: {  	_ =	shalt  }
0x4d: {  	_ =	shalt  }
0x4e: {  	_ =	shalt  }
0x4f: {  	_ =	shalt  }
0x50: {  	_ =	shalt  }
0x51: {  	_ =	shalt  }
0x52: {  	_ =	shalt  }
0x53: {  	_ =	shalt  }
0x54: {  	_ =	shalt  }
0x55: {  	_ =	shalt  }
0x56: {  	_ =	shalt  }
0x57: {  	_ =	shalt  }
0x58: {  	_ =	shalt  }
0x59: {  	_ =	shalt  }
0x5a: {  	_ =	shalt  }
0x5b: {  	_ =	shalt  }
0x5c: {  	_ =	shalt  }
0x5d: {  	_ =	shalt  }
0x5e: {  	_ =	shalt  }
0x5f: {  	_ =	shalt  }
0x60: {  	_ =	shalt  }
0x61: {  	_ =	shalt  }
0x62: {  	_ =	shalt  }
0x63: {  	_ =	shalt  }
0x64: {  	_ =	shalt  }
0x65: {  	_ =	shalt  }
0x66: {  	_ =	shalt  }
0x67: {  	_ =	shalt  }
0x68: {  	_ =	shalt  }
0x69: {  	_ =	shalt  }
0x6a: {  	_ =	shalt  }
0x6b: {  	_ =	shalt  }
0x6c: {  	_ =	shalt  }
0x6d: {  	_ =	shalt  }
0x6e: {  	_ =	shalt  }
0x6f: {  	_ =	shalt  }
0x70: {  	_ =	shalt  }
0x71: {  	_ =	shalt  }
0x72: {  	_ =	shalt  }
0x73: {  	_ =	shalt  }
0x74: {  	_ =	shalt  }
0x75: {  	_ =	shalt  }
0x76: {  	_ =	shalt  }
0x77: {  	_ =	shalt  }
0x78: {  	_ =	shalt  }
0x79: {  	_ =	shalt  }
0x7a: {  	_ =	shalt  }
0x7b: {  	_ =	shalt  }
0x7c: {  	_ =	shalt  }
0x7d: {  	_ =	shalt  }
0x7e: {  	_ =	shalt  }
0x7f: {  	_ =	shalt  }
0x80: {  	_ =	shalt  }
0x81: {  	_ =	shalt  }
0x82: {  	_ =	shalt  }
0x83: {  	_ =	shalt  }
0x84: {  	_ =	shalt  }
0x85: {  	_ =	shalt  }
0x86: {  	_ =	shalt  }
0x87: {  	_ =	shalt  }
.Lfunc_end0:
.L_simem_size_0:
called_computation.2_lowered:
.L_overlay_start_0:
0x88: {  	s2 =	sld [smem:$0x3FD9]  }
0x89: {  	s3 =	sld [smem:$0x3FFE];
	_ =	sdelay $0x1  }
0x8a: {  	s1 =	srdreg.scid  }
0x8b: {  	s0 =	sand.u32 $0x1, s1  }
0x8c: {  	s17 =	sshll.u32 s0, $0xA;
	s2 =	sadd.s32 s3, s2  }
0x8d: {  	s2 =	sadd.s32 s2, s17  }
0x8e: {  	[smem:$0x3FBD] =	sst s2  }
0x8f: {  	_ = 	snop  }
0x90: {  	s2 =	sld [smem:$0x3FD0];
	(tm) =	ssettm $0x1  }
0x91: {  	s18 =	sld [smem:$0x3FFB];
	_ =	sdelay $0x3  }
0x92: {  	_ =	strace s18  }
0x93: {  	s3 =	sld [smem:$0x3FFC];
	_ =	sdelay $0x3  }
0x94: {  	_ =	strace s3  }
0x95: {  	s3 =	sld [smem:$0x3FFD];
	_ =	sdelay $0x3  }
0x96: {  	_ =	strace s3  }
0x97: {  	_ =	strace $0x8FFFFFFF  }
0x98: {  	s19 =	sld [smem:$0x3FDB];
	_ =	sdelay $0x1  }
0x99: {  	s4 =	simm.s32 $_scs_section_size  }
0x9a: {  	s5 =	simm.s32 $_size__tile_overlayer_lowered;
	s6 =	simm.s32 $_tile_overlayer_lowered  }
0x9b: {  	s22 =	simm.s32 $0x1BFF;
	s21 =	sshll.u32 s6, $0x1;
	s3 =	sadd.s32 s4, s19  }
0x9c: {  	s7 =	simm.s32 $0x0;
	s20 =	sshll.u32 s5, $0x1;
	s5 =	sadd.s32 s21, s3  }
0x9d: {  	[timem:s7], [sflag:s22] =	dma.local [hbm:s5], s20  }
0x9e: {  	_ =	swait.ge [sflag:s22], s20  }
0x9f: {  	s4 =	ssub.s32 $0x0, s20;
	[sflag:s22] =	ssyncset.done $0x0  }
0xa0: {  	[sflag:s22] =	ssyncadd.s32 s4;
	_ =	sdelay $0x1  }
0xa1: {  	s23 =	simm.s32 $0x1B8B  }
0xa2: {  	_ =	swait.ge [sflag:s23], $0x1  }
0xa3: {  	[sflag:s23] =	ssyncset.done $0x0  }
0xa4: {  	s25 =	simm.s32 $0x1B8E;
	s24 =	sld [smem:$0x3FFE];
	[sflag:s23] =	ssyncadd.s32 $0xFFFFFFFF  }
0xa5: {  	s26 =	simm.s32 $execute0_lowered;
	[smem:$0x3FD2] =	sst s25  }
0xa6: {  	s5 =	sshll.u32 s26, $0x1;
	_ =	strace $0x80000046;
	[dreg:$0x1] =	wrdreg $0xFFFFFFFF  }
0xa7: {  	s28 =	simm.s32 $_size_execute0_lowered;
	s3 =	sadd.s32 s3, s5;
	[dreg:$0x0] =	wrdreg $0x0  }
0xa8: {  	s5 =	sshll.u32 s28, $0x1;
	[dreg:$0x2] =	wrdreg s3  }
0xa9: {  	[dreg:$0x3] =	wrdreg s5  }
0xaa: {  	[dreg:$0x4] =	wrdreg $0xC0  }
0xab: {  	_ =	task [dreg:s7], $0x5FFFF  }
0xac: {  	[dreg:$0x1] =	wrdreg $0xFFFFFFFF  }
0xad: {  	[dreg:$0x0] =	wrdreg $0x60  }
0xae: {  	[dreg:$0x2] =	wrdreg s24  }
0xaf: {  	[dreg:$0x3] =	wrdreg s2  }
0xb0: {  	[dreg:$0x4] =	wrdreg $0x9  }
0xb1: {  	_ =	task.clear_ibuf [dreg:s7], $0x5FFFF;
	_ =	strace $0x90000046  }
0xb2: {  	s29 =	simm.s32 $0x9;
	_ =	strace $0x80000048  }
0xb3: {  	_ =	swait.ge [sflag:s29], $0x1  }
0xb4: {  	[sflag:s29] =	ssyncadd.s32 $0xFFFFFFFF  }
0xb5: {  	_ =	strace $0x90000048  }
0xb6: {  	_ =	sfence  }
0xb7: {  	s30 =	sld [smem:$0x0];
	_ =	sdelay $0x2  }
0xb8: {  	s31 =	sshll.u32 s1, $0xD;
	s1 =	sshrl.u32 s1, $0x2  }
0xb9: {  	s3 =	sand.u32 $0x4000, s31;
	s1 =	sadd.s32 s1, s30  }
0xba: {  	s0 =	sor.u32 s3, s0;
	s1 =	sshll.u32 s1, $0x11  }
0xbb: {  	s0 =	sor.u32 s1, s0  }
0xbc: {  	s0 =	sadd.s32 $0x8F2B, s0  }
0xbd: {  	[sflag:s0] =	ssyncadd.remote.s32 $0x1  }
0xbe: {  	_ =	sfence.sel $0xFFFF  }
0xbf: {  	[dreg:$0x0] =	wrdreg $0xFFFFFFFF;
	(pc) =	sbr.abs _section_cstart, $3  }
0xc0: {  	[dreg:$0x1] =	wrdreg $0xFFFFFFFF  }
0xc1: {  	_ =	task.clear_ibuf [dreg:s7], $0x2FFFF;
	_ =	strace $0x9FFFFFFF  }
0xc2: {  	(tm) =	ssettm $0x7FFFFFFF  }
0xc3: {  	_ =	shalt  }
tec
execute0_lowered:
.L_overlay_start_1:
0x0: {  	(tag) =	ssettag $0x1  }
0x1: {  	s0 =	rddreg [dreg:$0x0]  }
0x2: {  	s1 =	srdreg.scid;
	s3 =	stileid.u32  }
0x3: {  	s2 =	rddreg [dreg:$0x1];
	s10 =	simm.s32 $0x5;
	s11 =	simm.s32 $0x80  }
0x4: {  	s16 =	simm.s32 $0xEA00;
	s17 =	simm.s32 $0xFA00;
	s18 =	simm.s32 $0x10A00  }
0x5: {  	s19 =	simm.s32 $0x1;
	s20 =	simm.s32 $0x11A00;
	s21 =	simm.s32 $0x2  }
0x6: {  	s22 =	simm.s32 $0x13A00;
	s23 =	simm.s32 $0x3;
	s24 =	simm.s32 $0x4  }
0x7: {  	s25 =	simm.s32 $0x0;
	s1 =	sand.u32 $0x1, s1;
	s4 =	sshll.u32 s3, $0x1  }
0x8: {  	s3 =	simm.s32 $0x0;
	s5 =	sadd.s32 $0x66000, s0;
	s8 =	sor.u32 s1, s4  }
0x9: {  	[smem:$0x7FF] =	sst s3;
	s1 =	ssub.s32 $0x2, s1;
	s6 =	smul.u32 $0x1740, s8  }
0xa: {  	s4 =	sadd.s32 $0x4400, s0;
	_ =	strace $0x80000047;
	s9 =	sshrl.u32 s1, $0x1  }
0xb: {  	s8 =	smul.u32 $0xF8000, s8;
	s31 =	ssub.s32 s1, s9;
	s7 =	sadd.s32 s6, s0  }
0xc: {  	s6 =	sadd.s32 $0x95800, s0;
	s9 =	smax.u32 s31, $0x1;
	s7 =	sadd.s32 $0x67000, s7  }
.LBB2_1:
0xd: {  	[tilespmem:s3], [sflag:$0x5] =	stream.linear.gather [hbm4b:s7+s3], $0xBA00, $0x38;
	[tilespmem:$0x15A00] =	vst v63  }
0xe: {  	_ =	swait.ge [sflag:s10], $0xBA00  }
0xf: {  	[sflag:s10] =	ssyncset.done $0x0  }
0x10: {  	s0 =	simm.s32 $0xBA00;
	[sflag:s10] =	ssyncadd.s32 $0xFFFF4600  }
0x11: {  	[tilespmem:s0], [sflag:$0x1] =	stream.indirect.gather [hbm4b:s4+s11], $0x20, s3, s11, $0xb8;
	[tilespmem:$0x15A00] =	vst v63  }
0x12: {  	s30 =	simm.s32 $0xCA00  }
0x13: {  	[tilespmem:s30], [sflag:$0x1] =	stream.indirect.gather [hbm4b:s2+s11], $0x20, s11, s11, $0xb8;
	[tilespmem:$0x15A00] =	vst v63  }
0x14: {  	s31 =	simm.s32 $0x100;
	s1 =	simm.s32 $0xDA00;
	s26 =	simm.s32 $0x0  }
0x15: {  	[tilespmem:s1], [sflag:$0x1] =	stream.indirect.gather [hbm4b:s5+s11], $0x20, s31, s11, $0xb8;
	[tilespmem:$0x15A00] =	vst v63  }
.LBB2_2:
0x16: {  	p0 =	seq.s32 s26, $0x0  }
0x17: {  	s28 =	sshllo.u32 s26, $0x1;
	s0 =	simm.s32 @!p0 $0x4  }
0x18: {  	s1 =	smul.u32 $0x600, s28;
	_ =	swait.ge @!p0 [sflag:s0], $0x2000  }
0x19: {  	[sflag:s0] =	ssyncset.done @!p0 $0x0  }
0x1a: {  	s15 =	sshra.s32 s1, $0x2;
	[sflag:s0] =	ssyncadd.s32 @!p0 $0xFFFFE000  }
0x1b: {  	[tilespmem:s16], [sflag:$0x2] =	stream.indirect.gather [hbm4b:s4+s11], $0x20, s15, s11, $0xb8;
	[tilespmem:$0x15A00] =	vst v63  }
0x1c: {  	s1 =	sadd.s32 $0x80, s15  }
0x1d: {  	[tilespmem:s17], [sflag:$0x2] =	stream.indirect.gather [hbm4b:s2+s11], $0x20, s1, s11, $0xb8;
	[tilespmem:$0x15A00] =	vst v63  }
0x1e: {  	s0 =	sadd.s32 $0x100, s15  }
0x1f: {  	[tilespmem:s18], [sflag:$0x2] =	stream.indirect.gather [hbm4b:s5+s11], $0x20, s0, s11, $0xb8;
	[tilespmem:$0x15A00] =	vst v63  }
0x20: {  	_ =	swait.ge [sflag:s19], $0x1000  }
0x21: {  	[sflag:s19] =	ssyncset.done $0x0  }
0x22: {  	[sflag:s19] =	ssyncadd.s32 $0xFFFFF000  }
0x23: {  	_ =	swait.ge [sflag:s19], $0x1000  }
0x24: {  	[sflag:s19] =	ssyncset.done $0x0  }
0x25: {  	[sflag:s19] =	ssyncadd.s32 $0xFFFFF000  }
0x26: {  	_ =	swait.ge [sflag:s19], $0x1000  }
0x27: {  	[sflag:s19] =	ssyncset.done $0x0  }
0x28: {  	s31 =	simm.s32 $0xCA80;
	[sflag:s19] =	ssyncadd.s32 $0xFFFFF000  }
0x29: {  	s1 =	simm.s32 $0xBA80;
	v0 =	vld [tilespmem:s31+$0xFFFFFF80]  }
0x2a: {  	v1 =	vld [tilespmem:s1+$0xFFFFFF80]  }
0x2b: {  	s30 =	simm.s32 $0xDA80  }
0x2c: {  	v2 =	vld [tilespmem:s30+$0xFFFFFF80];
	_ =	sdelay $0x2  }
0x2d: {  	v0 =	vadd.bf16 v0, v1;
	_ =	sdelay $0x1  }
0x2e: {  	v0 =	vadd.bf16 v2, v0;
	_ =	sdelay $0x1  }
0x2f: {  	s29 =	simm.s32 $0x11B00;
	v1 =	vunpack.i.l.bf16.f32 v0  }
0x30: {  	v0 =	vunpack.i.u.bf16.f32 v0;
	[tilespmem:s29+$0xFFFFFF00] =	vst v1  }
0x31: {  	[tilespmem:s29+$0xFFFFFF10] =	vst v0  }
0x32: {  	v0 =	vld [tilespmem:s1+$0xFFFFFF90]  }
0x33: {  	v1 =	vld [tilespmem:s31+$0xFFFFFF90];
	_ =	sdelay $0x1  }
0x34: {  	v2 =	vld [tilespmem:s30+$0xFFFFFF90];
	_ =	sdelay $0x2  }
0x35: {  	v0 =	vadd.bf16 v1, v0;
	_ =	sdelay $0x1  }
0x36: {  	v0 =	vadd.bf16 v2, v0;
	_ =	sdelay $0x1  }
0x37: {  	v1 =	vunpack.i.l.bf16.f32 v0  }
0x38: {  	v0 =	vunpack.i.u.bf16.f32 v0;
	[tilespmem:s29+$0xFFFFFF20] =	vst v1  }
0x39: {  	[tilespmem:s29+$0xFFFFFF30] =	vst v0  }
0x3a: {  	v0 =	vld [tilespmem:s1+$0xFFFFFFA0]  }
0x3b: {  	v1 =	vld [tilespmem:s31+$0xFFFFFFA0];
	_ =	sdelay $0x1  }
0x3c: {  	v2 =	vld [tilespmem:s30+$0xFFFFFFA0];
	_ =	sdelay $0x2  }
0x3d: {  	v0 =	vadd.bf16 v1, v0;
	_ =	sdelay $0x1  }
0x3e: {  	v0 =	vadd.bf16 v2, v0;
	_ =	sdelay $0x1  }
0x3f: {  	v1 =	vunpack.i.l.bf16.f32 v0  }
0x40: {  	v0 =	vunpack.i.u.bf16.f32 v0;
	[tilespmem:s29+$0xFFFFFF40] =	vst v1  }
0x41: {  	[tilespmem:s29+$0xFFFFFF50] =	vst v0  }
0x42: {  	v0 =	vld [tilespmem:s1+$0xFFFFFFB0]  }
0x43: {  	v1 =	vld [tilespmem:s31+$0xFFFFFFB0];
	_ =	sdelay $0x1  }
0x44: {  	v2 =	vld [tilespmem:s30+$0xFFFFFFB0];
	_ =	sdelay $0x2  }
0x45: {  	v0 =	vadd.bf16 v1, v0;
	_ =	sdelay $0x1  }
0x46: {  	v0 =	vadd.bf16 v2, v0;
	_ =	sdelay $0x1  }
0x47: {  	v1 =	vunpack.i.l.bf16.f32 v0  }
0x48: {  	v0 =	vunpack.i.u.bf16.f32 v0;
	[tilespmem:s29+$0xFFFFFF60] =	vst v1  }
0x49: {  	[tilespmem:s29+$0xFFFFFF70] =	vst v0  }
0x4a: {  	v0 =	vld [tilespmem:s1+$0xFFFFFFC0]  }
0x4b: {  	v1 =	vld [tilespmem:s31+$0xFFFFFFC0];
	_ =	sdelay $0x1  }
0x4c: {  	v2 =	vld [tilespmem:s30+$0xFFFFFFC0];
	_ =	sdelay $0x2  }
0x4d: {  	v0 =	vadd.bf16 v1, v0;
	_ =	sdelay $0x1  }
0x4e: {  	v0 =	vadd.bf16 v2, v0;
	_ =	sdelay $0x1  }
0x4f: {  	v1 =	vunpack.i.l.bf16.f32 v0  }
0x50: {  	v0 =	vunpack.i.u.bf16.f32 v0;
	[tilespmem:s29+$0xFFFFFF80] =	vst v1  }
0x51: {  	[tilespmem:s29+$0xFFFFFF90] =	vst v0  }
0x52: {  	v0 =	vld [tilespmem:s1+$0xFFFFFFD0]  }
0x53: {  	v1 =	vld [tilespmem:s31+$0xFFFFFFD0];
	_ =	sdelay $0x1  }
0x54: {  	v2 =	vld [tilespmem:s30+$0xFFFFFFD0];
	_ =	sdelay $0x2  }
0x55: {  	v0 =	vadd.bf16 v1, v0;
	_ =	sdelay $0x1  }
0x56: {  	v0 =	vadd.bf16 v2, v0;
	_ =	sdelay $0x1  }
0x57: {  	v1 =	vunpack.i.l.bf16.f32 v0  }
0x58: {  	v0 =	vunpack.i.u.bf16.f32 v0;
	[tilespmem:s29+$0xFFFFFFA0] =	vst v1  }
0x59: {  	[tilespmem:s29+$0xFFFFFFB0] =	vst v0  }
0x5a: {  	v0 =	vld [tilespmem:s1+$0xFFFFFFE0]  }
0x5b: {  	v1 =	vld [tilespmem:s31+$0xFFFFFFE0];
	_ =	sdelay $0x1  }
0x5c: {  	v2 =	vld [tilespmem:s30+$0xFFFFFFE0];
	_ =	sdelay $0x2  }
0x5d: {  	v0 =	vadd.bf16 v1, v0;
	_ =	sdelay $0x1  }
0x5e: {  	v0 =	vadd.bf16 v2, v0;
	_ =	sdelay $0x1  }
0x5f: {  	v1 =	vunpack.i.l.bf16.f32 v0  }
0x60: {  	v0 =	vunpack.i.u.bf16.f32 v0;
	[tilespmem:s29+$0xFFFFFFC0] =	vst v1  }
0x61: {  	[tilespmem:s29+$0xFFFFFFD0] =	vst v0  }
0x62: {  	v0 =	vld [tilespmem:s1+$0xFFFFFFF0]  }
0x63: {  	v1 =	vld [tilespmem:s31+$0xFFFFFFF0];
	_ =	sdelay $0x1  }
0x64: {  	v2 =	vld [tilespmem:s30+$0xFFFFFFF0];
	_ =	sdelay $0x2  }
0x65: {  	v0 =	vadd.bf16 v1, v0;
	_ =	sdelay $0x1  }
0x66: {  	v0 =	vadd.bf16 v2, v0;
	_ =	sdelay $0x1  }
0x67: {  	v1 =	vunpack.i.l.bf16.f32 v0  }
0x68: {  	v0 =	vunpack.i.u.bf16.f32 v0;
	[tilespmem:s29+$0xFFFFFFE0] =	vst v1  }
0x69: {  	[tilespmem:s29+$0xFFFFFFF0] =	vst v0  }
0x6a: {  	v0 =	vld [tilespmem:s1+$0x0]  }
0x6b: {  	v1 =	vld [tilespmem:s31+$0x0];
	_ =	sdelay $0x1  }
0x6c: {  	v2 =	vld [tilespmem:s30+$0x0];
	_ =	sdelay $0x2  }
0x6d: {  	v0 =	vadd.bf16 v1, v0;
	_ =	sdelay $0x1  }
0x6e: {  	v0 =	vadd.bf16 v2, v0;
	_ =	sdelay $0x1  }
0x6f: {  	v1 =	vunpack.i.l.bf16.f32 v0  }
0x70: {  	v0 =	vunpack.i.u.bf16.f32 v0;
	[tilespmem:s29+$0x0] =	vst v1  }
0x71: {  	[tilespmem:s29+$0x10] =	vst v0  }
0x72: {  	v0 =	vld [tilespmem:s1+$0x10]  }
0x73: {  	v1 =	vld [tilespmem:s31+$0x10];
	_ =	sdelay $0x1  }
0x74: {  	v2 =	vld [tilespmem:s30+$0x10];
	_ =	sdelay $0x2  }
0x75: {  	v0 =	vadd.bf16 v1, v0;
	_ =	sdelay $0x1  }
0x76: {  	v0 =	vadd.bf16 v2, v0;
	_ =	sdelay $0x1  }
0x77: {  	v1 =	vunpack.i.l.bf16.f32 v0  }
0x78: {  	v0 =	vunpack.i.u.bf16.f32 v0;
	[tilespmem:s29+$0x20] =	vst v1  }
0x79: {  	[tilespmem:s29+$0x30] =	vst v0  }
0x7a: {  	v0 =	vld [tilespmem:s1+$0x20]  }
0x7b: {  	v1 =	vld [tilespmem:s31+$0x20];
	_ =	sdelay $0x1  }
0x7c: {  	v2 =	vld [tilespmem:s30+$0x20];
	_ =	sdelay $0x2  }
0x7d: {  	v0 =	vadd.bf16 v1, v0;
	_ =	sdelay $0x1  }
0x7e: {  	v0 =	vadd.bf16 v2, v0;
	_ =	sdelay $0x1  }
0x7f: {  	v1 =	vunpack.i.l.bf16.f32 v0  }
0x80: {  	v0 =	vunpack.i.u.bf16.f32 v0;
	[tilespmem:s29+$0x40] =	vst v1  }
0x81: {  	[tilespmem:s29+$0x50] =	vst v0  }
0x82: {  	v0 =	vld [tilespmem:s1+$0x30]  }
0x83: {  	v1 =	vld [tilespmem:s31+$0x30];
	_ =	sdelay $0x1  }
0x84: {  	v2 =	vld [tilespmem:s30+$0x30];
	_ =	sdelay $0x2  }
0x85: {  	v0 =	vadd.bf16 v1, v0;
	_ =	sdelay $0x1  }
0x86: {  	v0 =	vadd.bf16 v2, v0;
	_ =	sdelay $0x1  }
0x87: {  	v1 =	vunpack.i.l.bf16.f32 v0  }
0x88: {  	v0 =	vunpack.i.u.bf16.f32 v0;
	[tilespmem:s29+$0x60] =	vst v1  }
0x89: {  	[tilespmem:s29+$0x70] =	vst v0  }
0x8a: {  	v0 =	vld [tilespmem:s1+$0x40]  }
0x8b: {  	v1 =	vld [tilespmem:s31+$0x40];
	_ =	sdelay $0x1  }
0x8c: {  	v2 =	vld [tilespmem:s30+$0x40];
	_ =	sdelay $0x2  }
0x8d: {  	v0 =	vadd.bf16 v1, v0;
	_ =	sdelay $0x1  }
0x8e: {  	v0 =	vadd.bf16 v2, v0;
	_ =	sdelay $0x1  }
0x8f: {  	v1 =	vunpack.i.l.bf16.f32 v0  }
0x90: {  	v0 =	vunpack.i.u.bf16.f32 v0;
	[tilespmem:s29+$0x80] =	vst v1  }
0x91: {  	[tilespmem:s29+$0x90] =	vst v0  }
0x92: {  	v0 =	vld [tilespmem:s1+$0x50]  }
0x93: {  	v1 =	vld [tilespmem:s31+$0x50];
	_ =	sdelay $0x1  }
0x94: {  	s13 =	simm.s32 $0x0;
	s14 =	simm.s32 $0xDB80;
	v2 =	vld [tilespmem:s30+$0x50]  }
0x95: {  	s12 =	simm.s32 $0xCA80;
	s15 =	simm.s32 $0x11D00;
	s0 =	simm.s32 $0xBA80  }
.LBB2_3:
0x96: {  	s13 =	sadd.s32 $0x4, s13;
	s1 =	sadd.s32 $0x100, s1;
	s31 =	sadd.s32 $0x100, s31  }
0x97: {  	p0 =	slt.u32 s13, $0x3C;
	v0 =	vadd.bf16 v1, v0;
	_ =	sdelay $0x1  }
0x98: {  	v0 =	vadd.bf16 v2, v0;
	_ =	sdelay $0x1  }
0x99: {  	v1 =	vunpack.i.u.bf16.f32 v0;
	v0 =	vunpack.i.l.bf16.f32 v0  }
0x9a: {  	[tilespmem:s29+$0xA0] =	vst v0  }
0x9b: {  	[tilespmem:s29+$0xB0] =	vst v1  }
0x9c: {  	v0 =	vld [tilespmem:s0+$0x60]  }
0x9d: {  	v1 =	vld [tilespmem:s12+$0x60]  }
0x9e: {  	v2 =	vld [tilespmem:s30+$0x60];
	_ =	sdelay $0x3  }
0x9f: {  	v0 =	vadd.bf16 v1, v0;
	_ =	sdelay $0x1  }
0xa0: {  	v0 =	vadd.bf16 v2, v0;
	_ =	sdelay $0x1  }
0xa1: {  	v1 =	vunpack.i.u.bf16.f32 v0;
	v0 =	vunpack.i.l.bf16.f32 v0  }
0xa2: {  	[tilespmem:s29+$0xD0] =	vst v1  }
0xa3: {  	[tilespmem:s29+$0xC0] =	vst v0  }
0xa4: {  	v0 =	vld [tilespmem:s0+$0x70];
	s0 =	smov.u32 s1  }
0xa5: {  	v1 =	vld [tilespmem:s12+$0x70];
	s12 =	smov.u32 s31  }
0xa6: {  	v2 =	vld [tilespmem:s30+$0x70];
	s30 =	smov.u32 s14;
	_ =	sdelay $0x3  }
0xa7: {  	v0 =	vadd.bf16 v1, v0;
	_ =	sdelay $0x1  }
0xa8: {  	v0 =	vadd.bf16 v2, v0;
	_ =	sdelay $0x1  }
0xa9: {  	v1 =	vunpack.i.u.bf16.f32 v0;
	v0 =	vunpack.i.l.bf16.f32 v0  }
0xaa: {  	[tilespmem:s29+$0xE0] =	vst v0  }
0xab: {  	[tilespmem:s29+$0xF0] =	vst v1;
	s29 =	smov.u32 s15  }
0xac: {  	v0 =	vld [tilespmem:s31+$0xFFFFFF80]  }
0xad: {  	v1 =	vld [tilespmem:s1+$0xFFFFFF80];
	_ =	sdelay $0x1  }
0xae: {  	v2 =	vld [tilespmem:s14+$0xFFFFFF80];
	_ =	sdelay $0x2  }
0xaf: {  	v0 =	vadd.bf16 v0, v1;
	_ =	sdelay $0x1  }
0xb0: {  	v0 =	vadd.bf16 v2, v0;
	_ =	sdelay $0x1  }
0xb1: {  	v1 =	vunpack.i.u.bf16.f32 v0;
	v0 =	vunpack.i.l.bf16.f32 v0  }
0xb2: {  	[tilespmem:s15+$0xFFFFFF00] =	vst v0  }
0xb3: {  	[tilespmem:s15+$0xFFFFFF10] =	vst v1  }
0xb4: {  	v0 =	vld [tilespmem:s1+$0xFFFFFF90]  }
0xb5: {  	v1 =	vld [tilespmem:s31+$0xFFFFFF90];
	_ =	sdelay $0x1  }
0xb6: {  	v2 =	vld [tilespmem:s14+$0xFFFFFF90];
	_ =	sdelay $0x2  }
0xb7: {  	v0 =	vadd.bf16 v1, v0;
	_ =	sdelay $0x1  }
0xb8: {  	v0 =	vadd.bf16 v2, v0;
	_ =	sdelay $0x1  }
0xb9: {  	v1 =	vunpack.i.u.bf16.f32 v0;
	v0 =	vunpack.i.l.bf16.f32 v0  }
0xba: {  	[tilespmem:s15+$0xFFFFFF20] =	vst v0  }
0xbb: {  	[tilespmem:s15+$0xFFFFFF30] =	vst v1  }
0xbc: {  	v0 =	vld [tilespmem:s1+$0xFFFFFFA0]  }
0xbd: {  	v1 =	vld [tilespmem:s31+$0xFFFFFFA0];
	_ =	sdelay $0x1  }
0xbe: {  	v2 =	vld [tilespmem:s14+$0xFFFFFFA0];
	_ =	sdelay $0x2  }
0xbf: {  	v0 =	vadd.bf16 v1, v0;
	_ =	sdelay $0x1  }
0xc0: {  	v0 =	vadd.bf16 v2, v0;
	_ =	sdelay $0x1  }
0xc1: {  	v1 =	vunpack.i.u.bf16.f32 v0;
	v0 =	vunpack.i.l.bf16.f32 v0  }
0xc2: {  	[tilespmem:s15+$0xFFFFFF40] =	vst v0  }
0xc3: {  	[tilespmem:s15+$0xFFFFFF50] =	vst v1  }
0xc4: {  	v0 =	vld [tilespmem:s1+$0xFFFFFFB0]  }
0xc5: {  	v1 =	vld [tilespmem:s31+$0xFFFFFFB0]  }
0xc6: {  	v2 =	vld [tilespmem:s14+$0xFFFFFFB0];
	_ =	sdelay $0x3  }
0xc7: {  	v0 =	vadd.bf16 v1, v0;
	_ =	sdelay $0x1  }
0xc8: {  	v0 =	vadd.bf16 v2, v0;
	_ =	sdelay $0x1  }
0xc9: {  	v1 =	vunpack.i.u.bf16.f32 v0;
	v0 =	vunpack.i.l.bf16.f32 v0  }
0xca: {  	[tilespmem:s15+$0xFFFFFF60] =	vst v0  }
0xcb: {  	[tilespmem:s15+$0xFFFFFF70] =	vst v1  }
0xcc: {  	v0 =	vld [tilespmem:s1+$0xFFFFFFC0]  }
0xcd: {  	v1 =	vld [tilespmem:s31+$0xFFFFFFC0];
	_ =	sdelay $0x1  }
0xce: {  	v2 =	vld [tilespmem:s14+$0xFFFFFFC0];
	_ =	sdelay $0x2  }
0xcf: {  	v0 =	vadd.bf16 v1, v0;
	_ =	sdelay $0x1  }
0xd0: {  	v0 =	vadd.bf16 v2, v0;
	_ =	sdelay $0x1  }
0xd1: {  	v1 =	vunpack.i.u.bf16.f32 v0;
	v0 =	vunpack.i.l.bf16.f32 v0  }
0xd2: {  	[tilespmem:s15+$0xFFFFFF80] =	vst v0  }
0xd3: {  	[tilespmem:s15+$0xFFFFFF90] =	vst v1  }
0xd4: {  	v0 =	vld [tilespmem:s1+$0xFFFFFFD0]  }
0xd5: {  	v1 =	vld [tilespmem:s31+$0xFFFFFFD0]  }
0xd6: {  	v2 =	vld [tilespmem:s14+$0xFFFFFFD0];
	_ =	sdelay $0x3  }
0xd7: {  	v0 =	vadd.bf16 v1, v0;
	_ =	sdelay $0x1  }
0xd8: {  	v0 =	vadd.bf16 v2, v0;
	_ =	sdelay $0x1  }
0xd9: {  	v1 =	vunpack.i.u.bf16.f32 v0;
	v0 =	vunpack.i.l.bf16.f32 v0  }
0xda: {  	[tilespmem:s15+$0xFFFFFFA0] =	vst v0  }
0xdb: {  	[tilespmem:s15+$0xFFFFFFB0] =	vst v1  }
0xdc: {  	v0 =	vld [tilespmem:s1+$0xFFFFFFE0]  }
0xdd: {  	v1 =	vld [tilespmem:s31+$0xFFFFFFE0]  }
0xde: {  	v2 =	vld [tilespmem:s14+$0xFFFFFFE0];
	_ =	sdelay $0x3  }
0xdf: {  	v0 =	vadd.bf16 v1, v0;
	_ =	sdelay $0x1  }
0xe0: {  	v0 =	vadd.bf16 v2, v0;
	_ =	sdelay $0x1  }
0xe1: {  	v1 =	vunpack.i.u.bf16.f32 v0;
	v0 =	vunpack.i.l.bf16.f32 v0  }
0xe2: {  	[tilespmem:s15+$0xFFFFFFC0] =	vst v0  }
0xe3: {  	[tilespmem:s15+$0xFFFFFFD0] =	vst v1  }
0xe4: {  	v0 =	vld [tilespmem:s1+$0xFFFFFFF0]  }
0xe5: {  	v1 =	vld [tilespmem:s31+$0xFFFFFFF0]  }
0xe6: {  	v2 =	vld [tilespmem:s14+$0xFFFFFFF0];
	_ =	sdelay $0x3  }
0xe7: {  	v0 =	vadd.bf16 v1, v0;
	_ =	sdelay $0x1  }
0xe8: {  	v0 =	vadd.bf16 v2, v0;
	_ =	sdelay $0x1  }
0xe9: {  	v1 =	vunpack.i.u.bf16.f32 v0;
	v0 =	vunpack.i.l.bf16.f32 v0  }
0xea: {  	[tilespmem:s15+$0xFFFFFFE0] =	vst v0  }
0xeb: {  	[tilespmem:s15+$0xFFFFFFF0] =	vst v1  }
0xec: {  	v0 =	vld [tilespmem:s1+$0x0]  }
0xed: {  	v1 =	vld [tilespmem:s31+$0x0]  }
0xee: {  	v2 =	vld [tilespmem:s14+$0x0];
	_ =	sdelay $0x3  }
0xef: {  	v0 =	vadd.bf16 v1, v0;
	_ =	sdelay $0x1  }
0xf0: {  	v0 =	vadd.bf16 v2, v0;
	_ =	sdelay $0x1  }
0xf1: {  	v1 =	vunpack.i.u.bf16.f32 v0;
	v0 =	vunpack.i.l.bf16.f32 v0  }
0xf2: {  	[tilespmem:s15+$0x0] =	vst v0  }
0xf3: {  	[tilespmem:s15+$0x10] =	vst v1  }
0xf4: {  	v0 =	vld [tilespmem:s1+$0x10]  }
0xf5: {  	v1 =	vld [tilespmem:s31+$0x10]  }
0xf6: {  	v2 =	vld [tilespmem:s14+$0x10];
	_ =	sdelay $0x3  }
0xf7: {  	v0 =	vadd.bf16 v1, v0;
	_ =	sdelay $0x1  }
0xf8: {  	v0 =	vadd.bf16 v2, v0;
	_ =	sdelay $0x1  }
0xf9: {  	v1 =	vunpack.i.u.bf16.f32 v0;
	v0 =	vunpack.i.l.bf16.f32 v0  }
0xfa: {  	[tilespmem:s15+$0x20] =	vst v0  }
0xfb: {  	[tilespmem:s15+$0x30] =	vst v1  }
0xfc: {  	v0 =	vld [tilespmem:s1+$0x20]  }
0xfd: {  	v1 =	vld [tilespmem:s31+$0x20]  }
0xfe: {  	v2 =	vld [tilespmem:s14+$0x20];
	_ =	sdelay $0x3  }
0xff: {  	v0 =	vadd.bf16 v1, v0;
	_ =	sdelay $0x1  }
0x100: {  	v0 =	vadd.bf16 v2, v0;
	_ =	sdelay $0x1  }
0x101: {  	v1 =	vunpack.i.u.bf16.f32 v0;
	v0 =	vunpack.i.l.bf16.f32 v0  }
0x102: {  	[tilespmem:s15+$0x40] =	vst v0  }
0x103: {  	[tilespmem:s15+$0x50] =	vst v1  }
0x104: {  	v0 =	vld [tilespmem:s1+$0x30]  }
0x105: {  	v1 =	vld [tilespmem:s31+$0x30]  }
0x106: {  	v2 =	vld [tilespmem:s14+$0x30];
	_ =	sdelay $0x3  }
0x107: {  	v0 =	vadd.bf16 v1, v0;
	_ =	sdelay $0x1  }
0x108: {  	v0 =	vadd.bf16 v2, v0;
	_ =	sdelay $0x1  }
0x109: {  	v1 =	vunpack.i.u.bf16.f32 v0;
	v0 =	vunpack.i.l.bf16.f32 v0  }
0x10a: {  	[tilespmem:s15+$0x60] =	vst v0  }
0x10b: {  	[tilespmem:s15+$0x70] =	vst v1  }
0x10c: {  	v0 =	vld [tilespmem:s1+$0x40]  }
0x10d: {  	v1 =	vld [tilespmem:s31+$0x40]  }
0x10e: {  	v2 =	vld [tilespmem:s14+$0x40];
	_ =	sdelay $0x3  }
0x10f: {  	v0 =	vadd.bf16 v1, v0;
	_ =	sdelay $0x1  }
0x110: {  	v0 =	vadd.bf16 v2, v0;
	_ =	sdelay $0x1  }
0x111: {  	v1 =	vunpack.i.u.bf16.f32 v0;
	v0 =	vunpack.i.l.bf16.f32 v0  }
0x112: {  	[tilespmem:s15+$0x80] =	vst v0  }
0x113: {  	[tilespmem:s15+$0x90] =	vst v1  }
.Ltmp0:
0x114: {  	v0 =	vld [tilespmem:s1+$0x50];
	(pc) =	sbr.rel @p0 .LBB2_3-.Ltmp0, $3  }
0x115: {  	v1 =	vld [tilespmem:s31+$0x50]  }
0x116: {  	v2 =	vld [tilespmem:s14+$0x50];
	_ =	sdelay $0x1  }
0x117: {  	s15 =	sadd.s32 $0x200, s15;
	s14 =	sadd.s32 $0x100, s14  }
0x118: {  	_ = 	snop  }
0x119: {  	v0 =	vadd.bf16 v1, v0;
	_ =	sdelay $0x1  }
0x11a: {  	v0 =	vadd.bf16 v2, v0;
	_ =	sdelay $0x1  }
0x11b: {  	v1 =	vunpack.i.l.bf16.f32 v0  }
0x11c: {  	v0 =	vunpack.i.u.bf16.f32 v0;
	[tilespmem:s29+$0xA0] =	vst v1  }
0x11d: {  	[tilespmem:s29+$0xB0] =	vst v0  }
0x11e: {  	v0 =	vld [tilespmem:s0+$0x60]  }
0x11f: {  	v1 =	vld [tilespmem:s12+$0x60];
	_ =	sdelay $0x1  }
0x120: {  	v2 =	vld [tilespmem:s30+$0x60];
	_ =	sdelay $0x2  }
0x121: {  	v0 =	vadd.bf16 v1, v0;
	_ =	sdelay $0x1  }
0x122: {  	v0 =	vadd.bf16 v2, v0;
	_ =	sdelay $0x1  }
0x123: {  	v1 =	vunpack.i.u.bf16.f32 v0  }
0x124: {  	v0 =	vunpack.i.l.bf16.f32 v0;
	[tilespmem:s29+$0xD0] =	vst v1  }
0x125: {  	[tilespmem:s29+$0xC0] =	vst v0  }
0x126: {  	v0 =	vld [tilespmem:s0+$0x70]  }
0x127: {  	v1 =	vld [tilespmem:s12+$0x70];
	_ =	sdelay $0x1  }
0x128: {  	v2 =	vld [tilespmem:s30+$0x70];
	_ =	sdelay $0x2  }
0x129: {  	v0 =	vadd.bf16 v1, v0;
	_ =	sdelay $0x1  }
0x12a: {  	v0 =	vadd.bf16 v2, v0  }
0x12b: {  	s15 =	sshll.u32 s26, $0xE  }
0x12c: {  	s0 =	sadd.s32 s8, s15;
	v1 =	vunpack.i.l.bf16.f32 v0  }
0x12d: {  	s0 =	sshrl.u32 s0, $0x3;
	v0 =	vunpack.i.u.bf16.f32 v0;
	[tilespmem:s29+$0xE0] =	vst v1  }
0x12e: {  	p0 =	seq.s32 s26, $0x3D;
	s0 =	sadd.s32 s6, s0;
	[tilespmem:s29+$0xF0] =	vst v0  }
0x12f: {  	[hbm4b:s0+s3] =	stream.linear.scatter [tilespmem:s20], [sflag:$0x3], $0x2000, $0x38;
	[tilespmem:$0x15A00] =	vst v63  }
0x130: {  	s0 =	simm.s32 @!p0 $0x3  }
0x131: {  	s1 =	smul.u32 @!p0 $0xC00, s26;
	_ =	swait.ge @!p0 [sflag:s0], $0x2000  }
0x132: {  	[sflag:s0] =	ssyncset.done @!p0 $0x0  }
0x133: {  	[sflag:s0] =	ssyncadd.s32 @!p0 $0xFFFFE000;
	s0 =	sshra.s32 @!p0 s1, $0x2  }
0x134: {  	s13 =	simm.s32 @!p0 $0xBA00;
	s12 =	simm.s32 @!p0 $0x80;
	s1 =	sadd.s32 @!p0 $0x300, s0  }
0x135: {  	[tilespmem:s13], [sflag:$0x1] =	stream.indirect.gather @!p0 [hbm4b:s4+s12], $0x20, s1, s12, $0xb8;
	[tilespmem:$0x15A00] =	vst v63  }
0x136: {  	s1 =	sadd.s32 @!p0 $0x380, s0;
	s13 =	simm.s32 @!p0 $0xCA00  }
0x137: {  	[tilespmem:s13], [sflag:$0x1] =	stream.indirect.gather @!p0 [hbm4b:s2+s12], $0x20, s1, s12, $0xb8;
	[tilespmem:$0x15A00] =	vst v63  }
0x138: {  	s0 =	sadd.s32 @!p0 $0x400, s0;
	s1 =	simm.s32 @!p0 $0xDA00  }
0x139: {  	[tilespmem:s1], [sflag:$0x1] =	stream.indirect.gather @!p0 [hbm4b:s5+s12], $0x20, s0, s12, $0xb8;
	[tilespmem:$0x15A00] =	vst v63  }
0x13a: {  	_ =	swait.ge [sflag:s21], $0x1000  }
0x13b: {  	[sflag:s21] =	ssyncset.done $0x0  }
0x13c: {  	[sflag:s21] =	ssyncadd.s32 $0xFFFFF000  }
0x13d: {  	_ =	swait.ge [sflag:s21], $0x1000  }
0x13e: {  	[sflag:s21] =	ssyncset.done $0x0  }
0x13f: {  	[sflag:s21] =	ssyncadd.s32 $0xFFFFF000  }
0x140: {  	_ =	swait.ge [sflag:s21], $0x1000  }
0x141: {  	[sflag:s21] =	ssyncset.done $0x0  }
0x142: {  	s31 =	simm.s32 $0xFA80;
	[sflag:s21] =	ssyncadd.s32 $0xFFFFF000  }
0x143: {  	s1 =	simm.s32 $0xEA80;
	v0 =	vld [tilespmem:s31+$0xFFFFFF80]  }
0x144: {  	v1 =	vld [tilespmem:s1+$0xFFFFFF80]  }
0x145: {  	s30 =	simm.s32 $0x10A80  }
0x146: {  	v2 =	vld [tilespmem:s30+$0xFFFFFF80];
	_ =	sdelay $0x2  }
0x147: {  	v0 =	vadd.bf16 v0, v1;
	_ =	sdelay $0x1  }
0x148: {  	v0 =	vadd.bf16 v2, v0;
	_ =	sdelay $0x1  }
0x149: {  	s29 =	simm.s32 $0x13B00;
	v1 =	vunpack.i.l.bf16.f32 v0  }
0x14a: {  	v0 =	vunpack.i.u.bf16.f32 v0;
	[tilespmem:s29+$0xFFFFFF00] =	vst v1  }
0x14b: {  	[tilespmem:s29+$0xFFFFFF10] =	vst v0  }
0x14c: {  	v0 =	vld [tilespmem:s1+$0xFFFFFF90]  }
0x14d: {  	v1 =	vld [tilespmem:s31+$0xFFFFFF90];
	_ =	sdelay $0x1  }
0x14e: {  	v2 =	vld [tilespmem:s30+$0xFFFFFF90];
	_ =	sdelay $0x2  }
0x14f: {  	v0 =	vadd.bf16 v1, v0;
	_ =	sdelay $0x1  }
0x150: {  	v0 =	vadd.bf16 v2, v0;
	_ =	sdelay $0x1  }
0x151: {  	v1 =	vunpack.i.l.bf16.f32 v0  }
0x152: {  	v0 =	vunpack.i.u.bf16.f32 v0;
	[tilespmem:s29+$0xFFFFFF20] =	vst v1  }
0x153: {  	[tilespmem:s29+$0xFFFFFF30] =	vst v0  }
0x154: {  	v0 =	vld [tilespmem:s1+$0xFFFFFFA0]  }
0x155: {  	v1 =	vld [tilespmem:s31+$0xFFFFFFA0];
	_ =	sdelay $0x1  }
0x156: {  	v2 =	vld [tilespmem:s30+$0xFFFFFFA0];
	_ =	sdelay $0x2  }
0x157: {  	v0 =	vadd.bf16 v1, v0;
	_ =	sdelay $0x1  }
0x158: {  	v0 =	vadd.bf16 v2, v0;
	_ =	sdelay $0x1  }
0x159: {  	v1 =	vunpack.i.l.bf16.f32 v0  }
0x15a: {  	v0 =	vunpack.i.u.bf16.f32 v0;
	[tilespmem:s29+$0xFFFFFF40] =	vst v1  }
0x15b: {  	[tilespmem:s29+$0xFFFFFF50] =	vst v0  }
0x15c: {  	v0 =	vld [tilespmem:s1+$0xFFFFFFB0]  }
0x15d: {  	v1 =	vld [tilespmem:s31+$0xFFFFFFB0];
	_ =	sdelay $0x1  }
0x15e: {  	v2 =	vld [tilespmem:s30+$0xFFFFFFB0];
	_ =	sdelay $0x2  }
0x15f: {  	v0 =	vadd.bf16 v1, v0;
	_ =	sdelay $0x1  }
0x160: {  	v0 =	vadd.bf16 v2, v0;
	_ =	sdelay $0x1  }
0x161: {  	v1 =	vunpack.i.l.bf16.f32 v0  }
0x162: {  	v0 =	vunpack.i.u.bf16.f32 v0;
	[tilespmem:s29+$0xFFFFFF60] =	vst v1  }
0x163: {  	[tilespmem:s29+$0xFFFFFF70] =	vst v0  }
0x164: {  	v0 =	vld [tilespmem:s1+$0xFFFFFFC0]  }
0x165: {  	v1 =	vld [tilespmem:s31+$0xFFFFFFC0];
	_ =	sdelay $0x1  }
0x166: {  	v2 =	vld [tilespmem:s30+$0xFFFFFFC0];
	_ =	sdelay $0x2  }
0x167: {  	v0 =	vadd.bf16 v1, v0;
	_ =	sdelay $0x1  }
0x168: {  	v0 =	vadd.bf16 v2, v0;
	_ =	sdelay $0x1  }
0x169: {  	v1 =	vunpack.i.l.bf16.f32 v0  }
0x16a: {  	v0 =	vunpack.i.u.bf16.f32 v0;
	[tilespmem:s29+$0xFFFFFF80] =	vst v1  }
0x16b: {  	[tilespmem:s29+$0xFFFFFF90] =	vst v0  }
0x16c: {  	v0 =	vld [tilespmem:s1+$0xFFFFFFD0]  }
0x16d: {  	v1 =	vld [tilespmem:s31+$0xFFFFFFD0];
	_ =	sdelay $0x1  }
0x16e: {  	v2 =	vld [tilespmem:s30+$0xFFFFFFD0];
	_ =	sdelay $0x2  }
0x16f: {  	v0 =	vadd.bf16 v1, v0;
	_ =	sdelay $0x1  }
0x170: {  	v0 =	vadd.bf16 v2, v0;
	_ =	sdelay $0x1  }
0x171: {  	v1 =	vunpack.i.l.bf16.f32 v0  }
0x172: {  	v0 =	vunpack.i.u.bf16.f32 v0;
	[tilespmem:s29+$0xFFFFFFA0] =	vst v1  }
0x173: {  	[tilespmem:s29+$0xFFFFFFB0] =	vst v0  }
0x174: {  	v0 =	vld [tilespmem:s1+$0xFFFFFFE0]  }
0x175: {  	v1 =	vld [tilespmem:s31+$0xFFFFFFE0];
	_ =	sdelay $0x1  }
0x176: {  	v2 =	vld [tilespmem:s30+$0xFFFFFFE0];
	_ =	sdelay $0x2  }
0x177: {  	v0 =	vadd.bf16 v1, v0;
	_ =	sdelay $0x1  }
0x178: {  	v0 =	vadd.bf16 v2, v0;
	_ =	sdelay $0x1  }
0x179: {  	v1 =	vunpack.i.l.bf16.f32 v0  }
0x17a: {  	v0 =	vunpack.i.u.bf16.f32 v0;
	[tilespmem:s29+$0xFFFFFFC0] =	vst v1  }
0x17b: {  	[tilespmem:s29+$0xFFFFFFD0] =	vst v0  }
0x17c: {  	v0 =	vld [tilespmem:s1+$0xFFFFFFF0]  }
0x17d: {  	v1 =	vld [tilespmem:s31+$0xFFFFFFF0];
	_ =	sdelay $0x1  }
0x17e: {  	v2 =	vld [tilespmem:s30+$0xFFFFFFF0];
	_ =	sdelay $0x2  }
0x17f: {  	v0 =	vadd.bf16 v1, v0;
	_ =	sdelay $0x1  }
0x180: {  	v0 =	vadd.bf16 v2, v0;
	_ =	sdelay $0x1  }
0x181: {  	v1 =	vunpack.i.l.bf16.f32 v0  }
0x182: {  	v0 =	vunpack.i.u.bf16.f32 v0;
	[tilespmem:s29+$0xFFFFFFE0] =	vst v1  }
0x183: {  	[tilespmem:s29+$0xFFFFFFF0] =	vst v0  }
0x184: {  	v0 =	vld [tilespmem:s1+$0x0]  }
0x185: {  	v1 =	vld [tilespmem:s31+$0x0];
	_ =	sdelay $0x1  }
0x186: {  	v2 =	vld [tilespmem:s30+$0x0];
	_ =	sdelay $0x2  }
0x187: {  	v0 =	vadd.bf16 v1, v0;
	_ =	sdelay $0x1  }
0x188: {  	v0 =	vadd.bf16 v2, v0;
	_ =	sdelay $0x1  }
0x189: {  	v1 =	vunpack.i.l.bf16.f32 v0  }
0x18a: {  	v0 =	vunpack.i.u.bf16.f32 v0;
	[tilespmem:s29+$0x0] =	vst v1  }
0x18b: {  	[tilespmem:s29+$0x10] =	vst v0  }
0x18c: {  	v0 =	vld [tilespmem:s1+$0x10]  }
0x18d: {  	v1 =	vld [tilespmem:s31+$0x10];
	_ =	sdelay $0x1  }
0x18e: {  	v2 =	vld [tilespmem:s30+$0x10];
	_ =	sdelay $0x2  }
0x18f: {  	v0 =	vadd.bf16 v1, v0;
	_ =	sdelay $0x1  }
0x190: {  	v0 =	vadd.bf16 v2, v0;
	_ =	sdelay $0x1  }
0x191: {  	v1 =	vunpack.i.l.bf16.f32 v0  }
0x192: {  	v0 =	vunpack.i.u.bf16.f32 v0;
	[tilespmem:s29+$0x20] =	vst v1  }
0x193: {  	[tilespmem:s29+$0x30] =	vst v0  }
0x194: {  	v0 =	vld [tilespmem:s1+$0x20]  }
0x195: {  	v1 =	vld [tilespmem:s31+$0x20];
	_ =	sdelay $0x1  }
0x196: {  	v2 =	vld [tilespmem:s30+$0x20];
	_ =	sdelay $0x2  }
0x197: {  	v0 =	vadd.bf16 v1, v0;
	_ =	sdelay $0x1  }
0x198: {  	v0 =	vadd.bf16 v2, v0;
	_ =	sdelay $0x1  }
0x199: {  	v1 =	vunpack.i.l.bf16.f32 v0  }
0x19a: {  	v0 =	vunpack.i.u.bf16.f32 v0;
	[tilespmem:s29+$0x40] =	vst v1  }
0x19b: {  	[tilespmem:s29+$0x50] =	vst v0  }
0x19c: {  	v0 =	vld [tilespmem:s1+$0x30]  }
0x19d: {  	v1 =	vld [tilespmem:s31+$0x30];
	_ =	sdelay $0x1  }
0x19e: {  	v2 =	vld [tilespmem:s30+$0x30];
	_ =	sdelay $0x2  }
0x19f: {  	v0 =	vadd.bf16 v1, v0;
	_ =	sdelay $0x1  }
0x1a0: {  	v0 =	vadd.bf16 v2, v0;
	_ =	sdelay $0x1  }
0x1a1: {  	v1 =	vunpack.i.l.bf16.f32 v0  }
0x1a2: {  	v0 =	vunpack.i.u.bf16.f32 v0;
	[tilespmem:s29+$0x60] =	vst v1  }
0x1a3: {  	[tilespmem:s29+$0x70] =	vst v0  }
0x1a4: {  	v0 =	vld [tilespmem:s1+$0x40]  }
0x1a5: {  	v1 =	vld [tilespmem:s31+$0x40];
	_ =	sdelay $0x1  }
0x1a6: {  	v2 =	vld [tilespmem:s30+$0x40];
	_ =	sdelay $0x2  }
0x1a7: {  	v0 =	vadd.bf16 v1, v0;
	_ =	sdelay $0x1  }
0x1a8: {  	v0 =	vadd.bf16 v2, v0;
	_ =	sdelay $0x1  }
0x1a9: {  	v1 =	vunpack.i.l.bf16.f32 v0  }
0x1aa: {  	v0 =	vunpack.i.u.bf16.f32 v0;
	[tilespmem:s29+$0x80] =	vst v1  }
0x1ab: {  	[tilespmem:s29+$0x90] =	vst v0  }
0x1ac: {  	v0 =	vld [tilespmem:s1+$0x50]  }
0x1ad: {  	v1 =	vld [tilespmem:s31+$0x50];
	_ =	sdelay $0x1  }
0x1ae: {  	s14 =	simm.s32 $0x10B80;
	s15 =	simm.s32 $0x13D00;
	v2 =	vld [tilespmem:s30+$0x50]  }
0x1af: {  	s13 =	simm.s32 $0x0;
	s0 =	simm.s32 $0xEA80;
	s12 =	simm.s32 $0xFA80  }
.LBB2_5:
0x1b0: {  	s13 =	sadd.s32 $0x4, s13;
	s1 =	sadd.s32 $0x100, s1;
	s31 =	sadd.s32 $0x100, s31  }
0x1b1: {  	p0 =	slt.u32 s13, $0x3C;
	v0 =	vadd.bf16 v1, v0;
	_ =	sdelay $0x1  }
0x1b2: {  	v0 =	vadd.bf16 v2, v0;
	_ =	sdelay $0x1  }
0x1b3: {  	v1 =	vunpack.i.u.bf16.f32 v0;
	v0 =	vunpack.i.l.bf16.f32 v0  }
0x1b4: {  	[tilespmem:s29+$0xA0] =	vst v0  }
0x1b5: {  	[tilespmem:s29+$0xB0] =	vst v1  }
0x1b6: {  	v0 =	vld [tilespmem:s0+$0x60]  }
0x1b7: {  	v1 =	vld [tilespmem:s12+$0x60]  }
0x1b8: {  	v2 =	vld [tilespmem:s30+$0x60];
	_ =	sdelay $0x3  }
0x1b9: {  	v0 =	vadd.bf16 v1, v0;
	_ =	sdelay $0x1  }
0x1ba: {  	v0 =	vadd.bf16 v2, v0;
	_ =	sdelay $0x1  }
0x1bb: {  	v1 =	vunpack.i.u.bf16.f32 v0;
	v0 =	vunpack.i.l.bf16.f32 v0  }
0x1bc: {  	[tilespmem:s29+$0xD0] =	vst v1  }
0x1bd: {  	[tilespmem:s29+$0xC0] =	vst v0  }
0x1be: {  	v0 =	vld [tilespmem:s0+$0x70];
	s0 =	smov.u32 s1  }
0x1bf: {  	v1 =	vld [tilespmem:s12+$0x70];
	s12 =	smov.u32 s31  }
0x1c0: {  	v2 =	vld [tilespmem:s30+$0x70];
	s30 =	smov.u32 s14;
	_ =	sdelay $0x3  }
0x1c1: {  	v0 =	vadd.bf16 v1, v0;
	_ =	sdelay $0x1  }
0x1c2: {  	v0 =	vadd.bf16 v2, v0;
	_ =	sdelay $0x1  }
0x1c3: {  	v1 =	vunpack.i.u.bf16.f32 v0;
	v0 =	vunpack.i.l.bf16.f32 v0  }
0x1c4: {  	[tilespmem:s29+$0xE0] =	vst v0  }
0x1c5: {  	[tilespmem:s29+$0xF0] =	vst v1;
	s29 =	smov.u32 s15  }
0x1c6: {  	v0 =	vld [tilespmem:s31+$0xFFFFFF80]  }
0x1c7: {  	v1 =	vld [tilespmem:s1+$0xFFFFFF80];
	_ =	sdelay $0x1  }
0x1c8: {  	v2 =	vld [tilespmem:s14+$0xFFFFFF80];
	_ =	sdelay $0x2  }
0x1c9: {  	v0 =	vadd.bf16 v0, v1;
	_ =	sdelay $0x1  }
0x1ca: {  	v0 =	vadd.bf16 v2, v0;
	_ =	sdelay $0x1  }
0x1cb: {  	v1 =	vunpack.i.u.bf16.f32 v0;
	v0 =	vunpack.i.l.bf16.f32 v0  }
0x1cc: {  	[tilespmem:s15+$0xFFFFFF00] =	vst v0  }
0x1cd: {  	[tilespmem:s15+$0xFFFFFF10] =	vst v1  }
0x1ce: {  	v0 =	vld [tilespmem:s1+$0xFFFFFF90]  }
0x1cf: {  	v1 =	vld [tilespmem:s31+$0xFFFFFF90];
	_ =	sdelay $0x1  }
0x1d0: {  	v2 =	vld [tilespmem:s14+$0xFFFFFF90];
	_ =	sdelay $0x2  }
0x1d1: {  	v0 =	vadd.bf16 v1, v0;
	_ =	sdelay $0x1  }
0x1d2: {  	v0 =	vadd.bf16 v2, v0;
	_ =	sdelay $0x1  }
0x1d3: {  	v1 =	vunpack.i.u.bf16.f32 v0;
	v0 =	vunpack.i.l.bf16.f32 v0  }
0x1d4: {  	[tilespmem:s15+$0xFFFFFF20] =	vst v0  }
0x1d5: {  	[tilespmem:s15+$0xFFFFFF30] =	vst v1  }
0x1d6: {  	v0 =	vld [tilespmem:s1+$0xFFFFFFA0]  }
0x1d7: {  	v1 =	vld [tilespmem:s31+$0xFFFFFFA0];
	_ =	sdelay $0x1  }
0x1d8: {  	v2 =	vld [tilespmem:s14+$0xFFFFFFA0];
	_ =	sdelay $0x2  }
0x1d9: {  	v0 =	vadd.bf16 v1, v0;
	_ =	sdelay $0x1  }
0x1da: {  	v0 =	vadd.bf16 v2, v0;
	_ =	sdelay $0x1  }
0x1db: {  	v1 =	vunpack.i.u.bf16.f32 v0;
	v0 =	vunpack.i.l.bf16.f32 v0  }
0x1dc: {  	[tilespmem:s15+$0xFFFFFF40] =	vst v0  }
0x1dd: {  	[tilespmem:s15+$0xFFFFFF50] =	vst v1  }
0x1de: {  	v0 =	vld [tilespmem:s1+$0xFFFFFFB0]  }
0x1df: {  	v1 =	vld [tilespmem:s31+$0xFFFFFFB0]  }
0x1e0: {  	v2 =	vld [tilespmem:s14+$0xFFFFFFB0];
	_ =	sdelay $0x3  }
0x1e1: {  	v0 =	vadd.bf16 v1, v0;
	_ =	sdelay $0x1  }
0x1e2: {  	v0 =	vadd.bf16 v2, v0;
	_ =	sdelay $0x1  }
0x1e3: {  	v1 =	vunpack.i.u.bf16.f32 v0;
	v0 =	vunpack.i.l.bf16.f32 v0  }
0x1e4: {  	[tilespmem:s15+$0xFFFFFF60] =	vst v0  }
0x1e5: {  	[tilespmem:s15+$0xFFFFFF70] =	vst v1  }
0x1e6: {  	v0 =	vld [tilespmem:s1+$0xFFFFFFC0]  }
0x1e7: {  	v1 =	vld [tilespmem:s31+$0xFFFFFFC0];
	_ =	sdelay $0x1  }
0x1e8: {  	v2 =	vld [tilespmem:s14+$0xFFFFFFC0];
	_ =	sdelay $0x2  }
0x1e9: {  	v0 =	vadd.bf16 v1, v0;
	_ =	sdelay $0x1  }
0x1ea: {  	v0 =	vadd.bf16 v2, v0;
	_ =	sdelay $0x1  }
0x1eb: {  	v1 =	vunpack.i.u.bf16.f32 v0;
	v0 =	vunpack.i.l.bf16.f32 v0  }
0x1ec: {  	[tilespmem:s15+$0xFFFFFF80] =	vst v0  }
0x1ed: {  	[tilespmem:s15+$0xFFFFFF90] =	vst v1  }
0x1ee: {  	v0 =	vld [tilespmem:s1+$0xFFFFFFD0]  }
0x1ef: {  	v1 =	vld [tilespmem:s31+$0xFFFFFFD0]  }
0x1f0: {  	v2 =	vld [tilespmem:s14+$0xFFFFFFD0];
	_ =	sdelay $0x3  }
0x1f1: {  	v0 =	vadd.bf16 v1, v0;
	_ =	sdelay $0x1  }
0x1f2: {  	v0 =	vadd.bf16 v2, v0;
	_ =	sdelay $0x1  }
0x1f3: {  	v1 =	vunpack.i.u.bf16.f32 v0;
	v0 =	vunpack.i.l.bf16.f32 v0  }
0x1f4: {  	[tilespmem:s15+$0xFFFFFFA0] =	vst v0  }
0x1f5: {  	[tilespmem:s15+$0xFFFFFFB0] =	vst v1  }
0x1f6: {  	v0 =	vld [tilespmem:s1+$0xFFFFFFE0]  }
0x1f7: {  	v1 =	vld [tilespmem:s31+$0xFFFFFFE0]  }
0x1f8: {  	v2 =	vld [tilespmem:s14+$0xFFFFFFE0];
	_ =	sdelay $0x3  }
0x1f9: {  	v0 =	vadd.bf16 v1, v0;
	_ =	sdelay $0x1  }
0x1fa: {  	v0 =	vadd.bf16 v2, v0;
	_ =	sdelay $0x1  }
0x1fb: {  	v1 =	vunpack.i.u.bf16.f32 v0;
	v0 =	vunpack.i.l.bf16.f32 v0  }
0x1fc: {  	[tilespmem:s15+$0xFFFFFFC0] =	vst v0  }
0x1fd: {  	[tilespmem:s15+$0xFFFFFFD0] =	vst v1  }
0x1fe: {  	v0 =	vld [tilespmem:s1+$0xFFFFFFF0]  }
0x1ff: {  	v1 =	vld [tilespmem:s31+$0xFFFFFFF0]  }
0x200: {  	v2 =	vld [tilespmem:s14+$0xFFFFFFF0];
	_ =	sdelay $0x3  }
0x201: {  	v0 =	vadd.bf16 v1, v0;
	_ =	sdelay $0x1  }
0x202: {  	v0 =	vadd.bf16 v2, v0;
	_ =	sdelay $0x1  }
0x203: {  	v1 =	vunpack.i.u.bf16.f32 v0;
	v0 =	vunpack.i.l.bf16.f32 v0  }
0x204: {  	[tilespmem:s15+$0xFFFFFFE0] =	vst v0  }
0x205: {  	[tilespmem:s15+$0xFFFFFFF0] =	vst v1  }
0x206: {  	v0 =	vld [tilespmem:s1+$0x0]  }
0x207: {  	v1 =	vld [tilespmem:s31+$0x0]  }
0x208: {  	v2 =	vld [tilespmem:s14+$0x0];
	_ =	sdelay $0x3  }
0x209: {  	v0 =	vadd.bf16 v1, v0;
	_ =	sdelay $0x1  }
0x20a: {  	v0 =	vadd.bf16 v2, v0;
	_ =	sdelay $0x1  }
0x20b: {  	v1 =	vunpack.i.u.bf16.f32 v0;
	v0 =	vunpack.i.l.bf16.f32 v0  }
0x20c: {  	[tilespmem:s15+$0x0] =	vst v0  }
0x20d: {  	[tilespmem:s15+$0x10] =	vst v1  }
0x20e: {  	v0 =	vld [tilespmem:s1+$0x10]  }
0x20f: {  	v1 =	vld [tilespmem:s31+$0x10]  }
0x210: {  	v2 =	vld [tilespmem:s14+$0x10];
	_ =	sdelay $0x3  }
0x211: {  	v0 =	vadd.bf16 v1, v0;
	_ =	sdelay $0x1  }
0x212: {  	v0 =	vadd.bf16 v2, v0;
	_ =	sdelay $0x1  }
0x213: {  	v1 =	vunpack.i.u.bf16.f32 v0;
	v0 =	vunpack.i.l.bf16.f32 v0  }
0x214: {  	[tilespmem:s15+$0x20] =	vst v0  }
0x215: {  	[tilespmem:s15+$0x30] =	vst v1  }
0x216: {  	v0 =	vld [tilespmem:s1+$0x20]  }
0x217: {  	v1 =	vld [tilespmem:s31+$0x20]  }
0x218: {  	v2 =	vld [tilespmem:s14+$0x20];
	_ =	sdelay $0x3  }
0x219: {  	v0 =	vadd.bf16 v1, v0;
	_ =	sdelay $0x1  }
0x21a: {  	v0 =	vadd.bf16 v2, v0;
	_ =	sdelay $0x1  }
0x21b: {  	v1 =	vunpack.i.u.bf16.f32 v0;
	v0 =	vunpack.i.l.bf16.f32 v0  }
0x21c: {  	[tilespmem:s15+$0x40] =	vst v0  }
0x21d: {  	[tilespmem:s15+$0x50] =	vst v1  }
0x21e: {  	v0 =	vld [tilespmem:s1+$0x30]  }
0x21f: {  	v1 =	vld [tilespmem:s31+$0x30]  }
0x220: {  	v2 =	vld [tilespmem:s14+$0x30];
	_ =	sdelay $0x3  }
0x221: {  	v0 =	vadd.bf16 v1, v0;
	_ =	sdelay $0x1  }
0x222: {  	v0 =	vadd.bf16 v2, v0;
	_ =	sdelay $0x1  }
0x223: {  	v1 =	vunpack.i.u.bf16.f32 v0;
	v0 =	vunpack.i.l.bf16.f32 v0  }
0x224: {  	[tilespmem:s15+$0x60] =	vst v0  }
0x225: {  	[tilespmem:s15+$0x70] =	vst v1  }
0x226: {  	v0 =	vld [tilespmem:s1+$0x40]  }
0x227: {  	v1 =	vld [tilespmem:s31+$0x40]  }
0x228: {  	v2 =	vld [tilespmem:s14+$0x40];
	_ =	sdelay $0x3  }
0x229: {  	v0 =	vadd.bf16 v1, v0;
	_ =	sdelay $0x1  }
0x22a: {  	v0 =	vadd.bf16 v2, v0;
	_ =	sdelay $0x1  }
0x22b: {  	v1 =	vunpack.i.u.bf16.f32 v0;
	v0 =	vunpack.i.l.bf16.f32 v0  }
0x22c: {  	[tilespmem:s15+$0x80] =	vst v0  }
0x22d: {  	[tilespmem:s15+$0x90] =	vst v1  }
.Ltmp1:
0x22e: {  	v0 =	vld [tilespmem:s1+$0x50];
	(pc) =	sbr.rel @p0 .LBB2_5-.Ltmp1, $3  }
0x22f: {  	v1 =	vld [tilespmem:s31+$0x50]  }
0x230: {  	v2 =	vld [tilespmem:s14+$0x50];
	_ =	sdelay $0x1  }
0x231: {  	s15 =	sadd.s32 $0x200, s15;
	s14 =	sadd.s32 $0x100, s14  }
0x232: {  	_ = 	snop  }
0x233: {  	v0 =	vadd.bf16 v1, v0;
	_ =	sdelay $0x1  }
0x234: {  	v0 =	vadd.bf16 v2, v0;
	_ =	sdelay $0x1  }
0x235: {  	v59 =	vunpack.i.l.bf16.f32 v0  }
0x236: {  	v0 =	vunpack.i.u.bf16.f32 v0;
	[tilespmem:s29+$0xA0] =	vst v59  }
0x237: {  	[tilespmem:s29+$0xB0] =	vst v0  }
0x238: {  	v0 =	vld [tilespmem:s0+$0x60]  }
0x239: {  	v1 =	vld [tilespmem:s12+$0x60];
	_ =	sdelay $0x1  }
0x23a: {  	v60 =	vld [tilespmem:s30+$0x60];
	_ =	sdelay $0x2  }
0x23b: {  	v0 =	vadd.bf16 v1, v0;
	_ =	sdelay $0x1  }
0x23c: {  	v0 =	vadd.bf16 v60, v0;
	_ =	sdelay $0x1  }
0x23d: {  	v61 =	vunpack.i.u.bf16.f32 v0  }
0x23e: {  	v0 =	vunpack.i.l.bf16.f32 v0;
	[tilespmem:s29+$0xD0] =	vst v61  }
0x23f: {  	[tilespmem:s29+$0xC0] =	vst v0  }
0x240: {  	v0 =	vld [tilespmem:s0+$0x70]  }
0x241: {  	v1 =	vld [tilespmem:s12+$0x70];
	_ =	sdelay $0x1  }
0x242: {  	v62 =	vld [tilespmem:s30+$0x70];
	_ =	sdelay $0x2  }
0x243: {  	v0 =	vadd.bf16 v1, v0  }
0x244: {  	s26 =	sadd.s32 $0x1, s26  }
0x245: {  	p0 =	sne.s32 s26, $0x3E;
	v0 =	vadd.bf16 v62, v0  }
.Ltmp2:
0x246: {  	s31 =	sshll.u32 s28, $0xD;
	(pc) =	sbr.rel @p0 .LBB2_2-.Ltmp2, $4  }
0x247: {  	s0 =	sadd.s32 s8, s31;
	v63 =	vunpack.i.l.bf16.f32 v0  }
0x248: {  	s0 =	sshrl.u32 s0, $0x3;
	v0 =	vunpack.i.u.bf16.f32 v0;
	[tilespmem:s29+$0xE0] =	vst v63  }
0x249: {  	s0 =	sadd.s32 s6, s0;
	[tilespmem:s29+$0xF0] =	vst v0  }
0x24a: {  	[hbm4b:s0+s3] =	stream.linear.scatter [tilespmem:s22], [sflag:$0x4], $0x2000, $0x38;
	[tilespmem:$0x15A00] =	vst v63  }
0x24b: {  	s25 =	sadd.s32 $0x1, s25  }
0x24c: {  	_ =	swait.ge [sflag:s23], $0x2000;
	p0 =	sne.s32 s25, s9  }
.Ltmp3:
0x24d: {  	[sflag:s23] =	ssyncset.done $0x0;
	(pc) =	sbr.rel @p0 .LBB2_1-.Ltmp3, $4  }
0x24e: {  	[sflag:s23] =	ssyncadd.s32 $0xFFFFE000  }
0x24f: {  	_ =	swait.ge [sflag:s24], $0x2000  }
0x250: {  	[sflag:s24] =	ssyncset.done $0x0  }
0x251: {  	[sflag:s24] =	ssyncadd.s32 $0xFFFFE000  }
0x252: {  	_ =	sfence.sel $0x180000  }
0x253: {  	[bflag:$0x0] =	sbarrier.arrive $0xFFFF  }
0x254: {  	_ =	strace $0x90000047  }
0x255: {  	s0 =	stileid.u32;
	[bflag:$0x2] =	sbarrier.arrive $0xFFFF  }
0x256: {  	p0 =	sne.s32 s0, $0x0;
	s0 =	rddreg [dreg:$0x2]  }
0x257: {  	s0 =	sadd.s32 @!p0 $0x100000, s0  }
0x258: {  	[sflag:s0] =	ssyncadd.tile.s32 @!p0 $0x1;
	_ =	shalt  }
.Lfunc_end2:
_tile_overlayer_lowered:
.L_overlay_start_2:
0x259: {  	(tag) =	ssettag $0x2  }
0x25a: {  	s0 =	rddreg [dreg:$0x0];
	s2 =	stileid.u32  }
0x25b: {  	s1 =	rddreg [dreg:$0x1];
	p0 =	sne.s32 s2, $0x0  }
0x25c: {  	s3 =	rddreg [dreg:$0x2];
	[bflag:$0x3] =	sbarrier.arrive $0xFFFF;
	s2 =	simm.s32 @!p0 $0x1C05  }
0x25d: {  	[timem:s3], [sflag:s2] =	dma.local @!p0 [hbm:s0], s1  }
0x25e: {  	s0 =	simm.s32 @!p0 $0x5  }
0x25f: {  	_ =	swait.ge @!p0 [sflag:s0], s1  }
0x260: {  	s1 =	ssub.s32 @!p0 $0x0, s1;
	[sflag:s0] =	ssyncset.done @!p0 $0x0  }
0x261: {  	[sflag:s0] =	ssyncadd.s32 @!p0 s1  }
0x262: {  	[bflag:$0x3] =	sbarrier.arrive $0xFFFF  }
0x263: {  	_ =	shalt  }

// kernel: sparse-core-data-format-call.1.cloned.1.call-start
scs
called_computation.1_lowered:
.L_overlay_start_0:
0x0: {  	s1 =	sld [smem:$0x3FD9]  }
0x1: {  	s2 =	sld [smem:$0x3FFE];
	_ =	sdelay $0x1  }
0x2: {  	s3 =	srdreg.scid  }
0x3: {  	s0 =	sand.u32 $0x1, s3  }
0x4: {  	s17 =	sshll.u32 s0, $0xA;
	s1 =	sadd.s32 s2, s1  }
0x5: {  	s1 =	sadd.s32 s1, s17  }
0x6: {  	[smem:$0x3FBD] =	sst s1  }
0x7: {  	_ = 	snop  }
0x8: {  	(tm) =	ssettm $0x1  }
0x9: {  	s18 =	sld [smem:$0x3FFB];
	_ =	sdelay $0x3  }
0xa: {  	_ =	strace s18  }
0xb: {  	s1 =	sld [smem:$0x3FFC];
	_ =	sdelay $0x3  }
0xc: {  	_ =	strace s1  }
0xd: {  	s1 =	sld [smem:$0x3FFD];
	_ =	sdelay $0x3  }
0xe: {  	_ =	strace s1  }
0xf: {  	_ =	strace $0x8FFFFFFF  }
0x10: {  	s19 =	sld [smem:$0x3FDB];
	_ =	sdelay $0x1  }
0x11: {  	s20 =	simm.s32 $_scs_section_size  }
0x12: {  	s4 =	simm.s32 $_size__tile_overlayer_lowered;
	s5 =	simm.s32 $_tile_overlayer_lowered  }
0x13: {  	s23 =	simm.s32 $0x1BFF;
	s22 =	sshll.u32 s5, $0x1;
	s1 =	sadd.s32 s20, s19  }
0x14: {  	s6 =	simm.s32 $0x0;
	s21 =	sshll.u32 s4, $0x1;
	s4 =	sadd.s32 s22, s1  }
0x15: {  	[timem:s6], [sflag:s23] =	dma.local [hbm:s4], s21  }
0x16: {  	_ =	swait.ge [sflag:s23], s21  }
0x17: {  	s2 =	ssub.s32 $0x0, s21;
	[sflag:s23] =	ssyncset.done $0x0  }
0x18: {  	[sflag:s23] =	ssyncadd.s32 s2;
	_ =	sdelay $0x1  }
0x19: {  	s24 =	simm.s32 $0x1B8B  }
0x1a: {  	_ =	swait.ge [sflag:s24], $0x1  }
0x1b: {  	[sflag:s24] =	ssyncset.done $0x0  }
0x1c: {  	s26 =	simm.s32 $0x1B8E;
	s25 =	sld [smem:$0x3FFE];
	[sflag:s24] =	ssyncadd.s32 $0xFFFFFFFF  }
0x1d: {  	s27 =	simm.s32 $execute0_lowered;
	[smem:$0x3FD2] =	sst s26  }
0x1e: {  	s4 =	sshll.u32 s27, $0x1;
	_ =	strace $0x80000049;
	[dreg:$0x1] =	wrdreg $0xFFFFFFFF  }
0x1f: {  	s28 =	simm.s32 $_size_execute0_lowered;
	s1 =	sadd.s32 s1, s4;
	[dreg:$0x0] =	wrdreg $0x0  }
0x20: {  	s4 =	sshll.u32 s28, $0x1;
	[dreg:$0x2] =	wrdreg s1  }
0x21: {  	[dreg:$0x3] =	wrdreg s4  }
0x22: {  	[dreg:$0x4] =	wrdreg $0xC0  }
0x23: {  	_ =	task [dreg:s6], $0x5FFFF  }
0x24: {  	[dreg:$0x1] =	wrdreg $0xFFFFFFFF  }
0x25: {  	[dreg:$0x0] =	wrdreg $0x60  }
0x26: {  	[dreg:$0x2] =	wrdreg s25  }
0x27: {  	[dreg:$0x3] =	wrdreg $0x9  }
0x28: {  	_ =	task.clear_ibuf [dreg:s6], $0x4FFFF;
	_ =	strace $0x90000049  }
0x29: {  	s29 =	simm.s32 $0x9;
	_ =	strace $0x8000004B  }
0x2a: {  	_ =	swait.ge [sflag:s29], $0x1  }
0x2b: {  	[sflag:s29] =	ssyncadd.s32 $0xFFFFFFFF  }
0x2c: {  	_ =	strace $0x9000004B  }
0x2d: {  	_ =	sfence  }
0x2e: {  	s30 =	sld [smem:$0x0];
	_ =	sdelay $0x2  }
0x2f: {  	s31 =	sshll.u32 s3, $0xD;
	s3 =	sshrl.u32 s3, $0x2  }
0x30: {  	s2 =	sand.u32 $0x4000, s31;
	s1 =	sadd.s32 s3, s30  }
0x31: {  	s0 =	sor.u32 s2, s0;
	s1 =	sshll.u32 s1, $0x11  }
0x32: {  	s0 =	sor.u32 s1, s0  }
0x33: {  	s0 =	sadd.s32 $0x8F2B, s0  }
0x34: {  	[sflag:s0] =	ssyncadd.remote.s32 $0x1  }
0x35: {  	_ =	sfence.sel $0xFFFF  }
0x36: {  	[dreg:$0x0] =	wrdreg $0xFFFFFFFF;
	(pc) =	sbr.abs _section_cstart, $3  }
0x37: {  	[dreg:$0x1] =	wrdreg $0xFFFFFFFF  }
0x38: {  	_ =	task.clear_ibuf [dreg:s6], $0x2FFFF;
	_ =	strace $0x9FFFFFFF  }
0x39: {  	(tm) =	ssettm $0x7FFFFFFF  }
tec
execute0_lowered:
.L_overlay_start_1:
0x0: {  	(tag) =	ssettag $0x1  }
0x1: {  	s0 =	srdreg.scid  }
0x2: {  	s5 =	rddreg [dreg:$0x0];
	s1 =	stileid.u32;
	s4 =	simm.s32 $0x1  }
0x3: {  	s6 =	simm.s32 $0x2;
	s17 =	simm.s32 $0x0;
	p0 =	por $0x0, $0x0  }
0x4: {  	s8 =	simm.s32 $0x80;
	s18 =	simm.s32 $0x0;
	s16 =	simm.s32 $0x0  }
0x5: {  	s9 =	simm.s32 $0x0;
	s10 =	simm.s32 $0x0;
	s2 =	sshll.u32 s0, $0x4  }
0x6: {  	s11 =	simm.s32 $0x0;
	s13 =	simm.s32 $0x0;
	s2 =	sand.u32 $0x10, s2  }
.Ltmp0:
0x7: {  	s14 =	simm.s32 $0x0;
	s3 =	sor.u32 s1, s2;
	(pc) =	sbr.rel .LBB1_1-.Ltmp0, $4  }
0x8: {  	s0 =	rddreg [dreg:$0x1];
	_ =	strace $0x8000004A;
	s3 =	sshll.u32 s3, $0x8  }
0x9: {  	s15 =	simm.s32 $0x0;
	[sflag:s4] =	ssyncpa.u1 $0x0;
	s7 =	ssub.s32 $0x3D000, s3  }
0xa: {  	s2 =	sadd.s32 $0x4000, s5;
	[sflag:s6] =	ssyncpa.u1 $0x0;
	s6 =	sshrl.u32 s7, $0xD  }
0xb: {  	s5 =	sadd.s32 $0x1EC800, s5;
	s12 =	smov.u32 s3;
	s7 =	sadd.s32 $0x2, s6  }
.LBB1_7:
0xc: {  	p1 =	slt.u32 s15, $0x2  }
0xd: {  	s19 =	smov.u32 s17;
	p2 =	sgt.s32 @!p1 s17, $0x3CF90  }
0xe: {  	s20 =	sshra.s32 @!p1 s17, $0x1F;
	s21 =	sshra.s32 @!p1 s18, $0x1F;
	p2 =	por !p2, p1  }
0xf: {  	s17 =	sand.u32 @!p1 s20, s17;
	s19 =	simm.s32 @p2 $0x3CF90;
	p2 =	sgt.s32 @!p1 s18, $0x60  }
0x10: {  	s20 =	smov.u32 s18;
	s18 =	sand.u32 @!p1 s21, s18;
	p2 =	por !p2, p1  }
0x11: {  	s21 =	ssub.s32 @!p1 $0x0, s16;
	s17 =	ssub.s32 @!p1 s19, s17;
	s20 =	simm.s32 @p2 $0x60  }
0x12: {  	s16 =	smin.u32 @!p1 s16, s21;
	s19 =	sadd.s32 @!p1 $0xFFFC3070, s17;
	s18 =	ssub.s32 @!p1 s20, s18  }
0x13: {  	p2 =	sgt.s32 @!p1 s16, $0x1;
	s16 =	ssub.s32 @!p1 $0x2, s16;
	s20 =	sadd.s32 @!p1 $0xFFFFFFA0, s18  }
0x14: {  	s17 =	ssub.s32 @!p1 $0x3D090, s17;
	p2 =	por !p2, p1;
	p3 =	sgt.s32 @!p1 s20, $0x1F  }
0x15: {  	s16 =	simm.s32 @!p2 $0x0;
	s18 =	ssub.s32 @!p1 $0x80, s18;
	p2 =	por !p3, p1  }
0x16: {  	s20 =	smov.u32 s13;
	p3 =	sgt.s32 @!p1 s19, $0xFF;
	s18 =	simm.s32 @!p2 $0x0  }
0x17: {  	s19 =	sadd.s32 $0x2000, s12;
	p2 =	por !p3, p1;
	s16 =	smul.u32 @!p1 s16, s18  }
0x18: {  	s17 =	simm.s32 @!p2 $0x0;
	p2 =	sgt.s32 s19, $0x3D08F;
	s18 =	sadd.s32 $0x20, s13  }
0x19: {  	s21 =	smov.u32 s14;
	s20 =	smov.u32 @p2 s18  }
0x1a: {  	s16 =	smul.u32 @!p1 s17, s16;
	p3 =	sgt.s32 s20, $0x1F;
	s17 =	sadd.s32 $0x2, s14  }
0x1b: {  	p0 =	por !p0, !p0;
	s22 =	simm.s32 @!p1 $0x2;
	s21 =	smov.u32 @p3 s17  }
0x1c: {  	s19 =	smov.u32 @p2 s3;
	s18 =	smov.u32 s10;
	p2 =	sgt.s32 s21, $0x1  }
0x1d: {  	s10 =	smov.u32 s13;
	s21 =	simm.s32 @p2 $0x0;
	p2 =	sne.s32 s15, s7  }
.Ltmp1:
0x1e: {  	s20 =	simm.s32 @p3 $0x0;
	s17 =	smov.u32 s9;
	(pc) =	sbr.rel @!p2 .LBB1_8-.Ltmp1, $4  }
0x1f: {  	s9 =	smov.u32 s12;
	s12 =	smov.u32 s19;
	s16 =	sand.u32 @!p1 $0x3FFFFFFF, s16  }
0x20: {  	s13 =	smov.u32 s20;
	_ =	swait.ge @!p1 [sflag:s22], s16;
	s23 =	ssub.s32 @!p1 $0x0, s16  }
0x21: {  	s16 =	smov.u32 s11;
	s15 =	sadd.s32 $0x1, s15;
	[sflag:s22] =	ssyncset.done @!p1 $0x0  }
0x22: {  	s11 =	smov.u32 s14;
	s14 =	smov.u32 s21;
	[sflag:s22] =	ssyncadd.s32 @!p1 s23  }
.LBB1_1:
0x23: {  	p1 =	sgt.u32 s15, s6  }
0x24: {  	s19 =	sshrl.u32 @!p1 s13, $0x3  }
0x25: {  	s20 =	sshll.u32 @!p1 s12, $0x3;
	s19 =	smul.u32 @!p1 $0x1E8800, s19  }
0x26: {  	s21 =	sshll.u32 @!p1 s13, $0x7;
	s20 =	sand.u32 @!p1 $0xFFFFFC00, s20  }
0x27: {  	s19 =	sadd.s32 @!p1 s19, s20;
	s20 =	sand.u32 @!p1 $0x380, s21  }
0x28: {  	s19 =	sor.u32 @!p1 s20, s19  }
0x29: {  	s20 =	sshrl.u32 @!p1 s19, $0x8  }
0x2a: {  	s20 =	smulhi.u32 @!p1 $0x10C50B5, s20;
	_ =	sdelay $0x1  }
0x2b: {  	s20 =	sshrl.u32 @!p1 s20, $0x2  }
0x2c: {  	s22 =	sand.u32 @!p1 $0x7F, s12;
	s21 =	sxor.u32 @!p1 $0xFFFFFFFF, s15;
	s23 =	smul.u32 @!p1 $0x3D100, s20  }
0x2d: {  	s19 =	sor.u32 @!p1 s22, s19;
	s22 =	smul.u32 @!p1 $0xF4400, s14;
	s20 =	sand.u32 @!p1 $0x1F, s20  }
0x2e: {  	s21 =	sshll.u32 @!p1 s21, $0xE;
	s20 =	smul.u32 @!p1 $0x7A20, s20;
	s19 =	ssub.s32 @!p1 s19, s23  }
0x2f: {  	s21 =	sand.u32 @!p1 $0x4000, s21;
	s22 =	sadd.s32 @!p1 s2, s22;
	s23 =	sand.u32 @!p1 $0x7, s19  }
0x30: {  	s19 =	sshrl.u32 @!p1 s19, $0x3;
	s20 =	sadd.s32 @!p1 s20, s22;
	s22 =	sshll.u32 @!p1 s23, $0x12  }
0x31: {  	s19 =	sadd.s32 @!p1 s19, s20;
	s20 =	sor.u32 @!p1 $0x800, s22;
	s22 =	simm.s32 @!p1 $0x1E8800  }
0x32: {  	[tilespmem:s21], [sflag:$0x1] =	stream.strided.gather @!p1 [hbm4b:s19+s20], $0x4000, s22, s20, $0x38;
	[tilespmem:$0x10400] =	vst v63  }
0x33: {  	p1 =	seq.s32 s15, $0x0  }
0x34: {  	p2 =	sge.u32 @!p1 s15, s7  }
0x35: {  	p1 =	por p1, p2  }
.Ltmp2:
0x36: {  	_ = 	snop;
	(pc) =	sbr.rel @p1 .LBB1_7-.Ltmp2, $1  }
0x37: {  	_ =	sdelay $0x3  }
0x38: {  	s19 =	simm.s32 $0x1;
	s20 =	sand.u32 $0x1, s15  }
0x39: {  	s19 =	simm.s32 @!p0 $0x0;
	s21 =	smul.u32 $0x10800, s20  }
0x3a: {  	_ =	swait.ge [sflag:s4], $0x4000;
	p2 =	por $0x1, $0x1;
	s19 =	smul.u32 $0x10800, s19  }
0x3b: {  	s24 =	simm.s32 $0x0;
	[sflag:s4] =	ssyncset.done $0x0;
	s20 =	sshll.u32 s20, $0xE  }
0x3c: {  	[sflag:s4] =	ssyncadd.s32 $0xFFFFC000;
	s21 =	sshrl.u32 s21, $0x2;
	s22 =	sshrl.u32 s19, $0x2  }
0x3d: {  	s19 =	sor.u32 $0x8000, s21;
	s21 =	sor.u32 $0x8000, s22;
	s22 =	simm.s32 $0x0  }
.LBB1_3:
0x3e: {  	s23 =	sshll.u32 s24, $0xD  }
0x3f: {  	s25 =	sadd.s32 s23, s20  }
0x40: {  	v0 =	vmov s25;
	_ =	sdelay $0x2  }
0x41: {  	s26 =	sand.u32 $0x380, s22;
	v1 =	vmov s23;
	s25 =	sand.u32 $0x1800, s22  }
0x42: {  	s23 =	sor.u32 s26, s25  }
0x43: {  	s25 =	sand.u32 $0x1B00, s23;
	v2 =	vld.idx.msk [tilespmem:v0+s23+$0x410 ss:$0x1], $0xffff  }
0x44: {  	s26 =	sand.u32 $0x80, s22;
	s25 =	sadd.s32 s25, s20;
	v3 =	vld.idx.msk [tilespmem:v0+s23+$0x420 ss:$0x1], $0xffff  }
0x45: {  	s26 =	sadd.s32 s26, s25;
	v4 =	vld.idx.msk [tilespmem:v0+s23+$0x430 ss:$0x1], $0xffff  }
0x46: {  	v5 =	vld.idx.msk [tilespmem:v1+s26+$0x400 ss:$0x1], $0xffff  }
0x47: {  	s25 =	sand.u32 $0x1, s24;
	v6 =	vld.idx.msk [tilespmem:v1+s26+$0x0 ss:$0x1], $0xffff  }
0x48: {  	s24 =	simm.s32 $0x21;
	p1 =	seq.s32 s25, $0x1;
	v7 =	vld.idx.msk [tilespmem:v1+s26+$0x10 ss:$0x1], $0xffff  }
0x49: {  	v11 =	vld.idx.msk [tilespmem:v1+s26+$0x20 ss:$0x1], $0xffff;
	s24 =	simm.s32 @!p1 $0x0  }
0x4a: {  	v12 =	vld.idx.msk [tilespmem:v1+s26+$0x30 ss:$0x1], $0xffff;
	s24 =	sadd.s32 s24, s21  }
0x4b: {  	v13 =	vld.idx.msk [tilespmem:v1+s26+$0x40 ss:$0x1], $0xffff;
	s25 =	sadd.s32 $0x0, s24  }
0x4c: {  	v10 =	vld.idx.msk [tilespmem:v1+s26+$0x50 ss:$0x1], $0xffff;
	[tilespmem:s25+$0x2100 ss:$0x42] =	vst.msk $0xffff, v5  }
0x4d: {  	v9 =	vld.idx.msk [tilespmem:v1+s26+$0x60 ss:$0x1], $0xffff;
	[tilespmem:s25+$0x0 ss:$0x42] =	vst.msk $0xffff, v6  }
0x4e: {  	v8 =	vld.idx.msk [tilespmem:v1+s26+$0x70 ss:$0x1], $0xffff;
	[tilespmem:s25+$0x420 ss:$0x42] =	vst.msk $0xffff, v7  }
0x4f: {  	s28 =	simm.s32 $0x100;
	[tilespmem:s25+$0x840 ss:$0x42] =	vst.msk $0xffff, v11;
	v5 =	vld.idx.msk [tilespmem:v0+s23+$0x440 ss:$0x1], $0xffff  }
0x50: {  	s27 =	simm.s32 $0x80;
	s29 =	simm.s32 $0x8;
	s30 =	sand.u32 $0x1800, s28;
	[tilespmem:s25+$0xC60 ss:$0x42] =	vst.msk $0xffff, v12;
	v6 =	vld.idx.msk [tilespmem:v0+s23+$0x450 ss:$0x1], $0xffff  }
0x51: {  	s31 =	sand.u32 $0x380, s27;
	s26 =	simm.s32 $0x4;
	p1 =	por p2, p2;
	[tilespmem:s25+$0x1080 ss:$0x42] =	vst.msk $0xffff, v13;
	v7 =	vld.idx.msk [tilespmem:v0+s23+$0x460 ss:$0x1], $0xffff  }
.LBB1_4:
0x52: {  	p2 =	sne.s32 s29, $0x7C;
	[tilespmem:s25+$0x14A0 ss:$0x42] =	vst.msk $0xffff, v10;
	v10 =	vld.idx.msk [tilespmem:v0+s23+$0x470 ss:$0x1], $0xffff;
	s23 =	sor.u32 s31, s30  }
0x53: {  	s30 =	sand.u32 $0x1B00, s23;
	v11 =	vld.idx.msk [tilespmem:v0+s23+$0x410 ss:$0x1], $0xffff;
	[tilespmem:s25+$0x18C0 ss:$0x42] =	vst.msk $0xffff, v9  }
0x54: {  	s31 =	sand.u32 $0x80, s27;
	s30 =	sadd.s32 s30, s20;
	v9 =	vld.idx.msk [tilespmem:v0+s23+$0x420 ss:$0x1], $0xffff;
	[tilespmem:s25+$0x1CE0 ss:$0x42] =	vst.msk $0xffff, v8  }
0x55: {  	s30 =	sadd.s32 s31, s30;
	v8 =	vld.idx.msk [tilespmem:v0+s23+$0x430 ss:$0x1], $0xffff;
	[tilespmem:s25+$0x2520 ss:$0x42] =	vst.msk $0xffff, v2  }
0x56: {  	v12 =	vld.idx.msk [tilespmem:v1+s30+$0x400 ss:$0x1], $0xffff;
	[tilespmem:s25+$0x2940 ss:$0x42] =	vst.msk $0xffff, v3  }
0x57: {  	v13 =	vld.idx.msk [tilespmem:v1+s30+$0x0 ss:$0x1], $0xffff;
	[tilespmem:s25+$0x2D60 ss:$0x42] =	vst.msk $0xffff, v4  }
0x58: {  	v14 =	vld.idx.msk [tilespmem:v1+s30+$0x10 ss:$0x1], $0xffff;
	[tilespmem:s25+$0x3180 ss:$0x42] =	vst.msk $0xffff, v5  }
0x59: {  	v2 =	vmov v11;
	v5 =	vld.idx.msk [tilespmem:v1+s30+$0x20 ss:$0x1], $0xffff;
	[tilespmem:s25+$0x35A0 ss:$0x42] =	vst.msk $0xffff, v6  }
0x5a: {  	s31 =	sshra.s32 s26, $0x2;
	s26 =	smov.u32 s29;
	v3 =	vmov v9;
	v6 =	vld.idx.msk [tilespmem:v1+s30+$0x30 ss:$0x1], $0xffff;
	[tilespmem:s25+$0x39C0 ss:$0x42] =	vst.msk $0xffff, v7  }
0x5b: {  	v4 =	vmov v8;
	v7 =	vld.idx.msk [tilespmem:v1+s30+$0x40 ss:$0x1], $0xffff;
	[tilespmem:s25+$0x3DE0 ss:$0x42] =	vst.msk $0xffff, v10;
	s25 =	sadd.s32 s31, s24  }
0x5c: {  	v10 =	vld.idx.msk [tilespmem:v1+s30+$0x50 ss:$0x1], $0xffff;
	[tilespmem:s25+$0x2100 ss:$0x42] =	vst.msk $0xffff, v12  }
.Ltmp3:
0x5d: {  	[tilespmem:s25+$0x0 ss:$0x42] =	vst.msk $0xffff, v13;
	v9 =	vld.idx.msk [tilespmem:v1+s30+$0x60 ss:$0x1], $0xffff;
	(pc) =	sbr.rel @p2 .LBB1_4-.Ltmp3, $4  }
0x5e: {  	[tilespmem:s25+$0x420 ss:$0x42] =	vst.msk $0xffff, v14;
	v8 =	vld.idx.msk [tilespmem:v1+s30+$0x70 ss:$0x1], $0xffff  }
0x5f: {  	[tilespmem:s25+$0x840 ss:$0x42] =	vst.msk $0xffff, v5;
	v5 =	vld.idx.msk [tilespmem:v0+s23+$0x440 ss:$0x1], $0xffff  }
0x60: {  	s27 =	sadd.s32 $0x80, s27;
	s28 =	sadd.s32 $0x100, s28;
	[tilespmem:s25+$0xC60 ss:$0x42] =	vst.msk $0xffff, v6;
	v6 =	vld.idx.msk [tilespmem:v0+s23+$0x450 ss:$0x1], $0xffff  }
0x61: {  	s29 =	sadd.s32 $0x4, s29;
	s31 =	sand.u32 $0x380, s27;
	s30 =	sand.u32 $0x1800, s28;
	[tilespmem:s25+$0x1080 ss:$0x42] =	vst.msk $0xffff, v7;
	v7 =	vld.idx.msk [tilespmem:v0+s23+$0x460 ss:$0x1], $0xffff  }
0x62: {  	[tilespmem:s25+$0x14A0 ss:$0x42] =	vst.msk $0xffff, v10  }
0x63: {  	[tilespmem:s25+$0x18C0 ss:$0x42] =	vst.msk $0xffff, v9  }
0x64: {  	[tilespmem:s25+$0x2520 ss:$0x42] =	vst.msk $0xffff, v2  }
0x65: {  	[tilespmem:s25+$0x2940 ss:$0x42] =	vst.msk $0xffff, v3  }
0x66: {  	s28 =	sor.u32 s31, s30;
	v47 =	vld.idx.msk [tilespmem:v0+s23+$0x470 ss:$0x1], $0xffff;
	[tilespmem:s25+$0x2D60 ss:$0x42] =	vst.msk $0xffff, v4  }
0x67: {  	[tilespmem:s25+$0x1CE0 ss:$0x42] =	vst.msk $0xffff, v8;
	v57 =	vld.idx.msk [tilespmem:v0+s28+$0x410 ss:$0x1], $0xffff  }
0x68: {  	v58 =	vld.idx.msk [tilespmem:v0+s28+$0x420 ss:$0x1], $0xffff;
	[tilespmem:s25+$0x3180 ss:$0x42] =	vst.msk $0xffff, v5  }
0x69: {  	v59 =	vld.idx.msk [tilespmem:v0+s28+$0x430 ss:$0x1], $0xffff;
	[tilespmem:s25+$0x35A0 ss:$0x42] =	vst.msk $0xffff, v6  }
0x6a: {  	s26 =	sshra.s32 s26, $0x2;
	v60 =	vld.idx.msk [tilespmem:v0+s28+$0x440 ss:$0x1], $0xffff;
	[tilespmem:s25+$0x39C0 ss:$0x42] =	vst.msk $0xffff, v7  }
0x6b: {  	s29 =	sand.u32 $0x1B00, s28;
	s24 =	sadd.s32 s26, s24;
	v61 =	vld.idx.msk [tilespmem:v0+s28+$0x450 ss:$0x1], $0xffff;
	[tilespmem:s25+$0x3DE0 ss:$0x42] =	vst.msk $0xffff, v47  }
0x6c: {  	s27 =	sand.u32 $0x80, s27;
	v62 =	vld.idx.msk [tilespmem:v0+s28+$0x460 ss:$0x1], $0xffff;
	s29 =	sadd.s32 s29, s20;
	[tilespmem:s24+$0x2520 ss:$0x42] =	vst.msk $0xffff, v57  }
0x6d: {  	v63 =	vld.idx.msk [tilespmem:v0+s28+$0x470 ss:$0x1], $0xffff;
	s31 =	sadd.s32 s27, s29;
	[tilespmem:s24+$0x2940 ss:$0x42] =	vst.msk $0xffff, v58  }
0x6e: {  	v48 =	vld.idx.msk [tilespmem:v1+s31+$0x400 ss:$0x1], $0xffff;
	[tilespmem:s24+$0x2D60 ss:$0x42] =	vst.msk $0xffff, v59  }
0x6f: {  	v49 =	vld.idx.msk [tilespmem:v1+s31+$0x0 ss:$0x1], $0xffff;
	[tilespmem:s24+$0x3180 ss:$0x42] =	vst.msk $0xffff, v60  }
0x70: {  	v50 =	vld.idx.msk [tilespmem:v1+s31+$0x10 ss:$0x1], $0xffff;
	[tilespmem:s24+$0x35A0 ss:$0x42] =	vst.msk $0xffff, v61  }
0x71: {  	v51 =	vld.idx.msk [tilespmem:v1+s31+$0x20 ss:$0x1], $0xffff;
	[tilespmem:s24+$0x39C0 ss:$0x42] =	vst.msk $0xffff, v62  }
0x72: {  	v52 =	vld.idx.msk [tilespmem:v1+s31+$0x30 ss:$0x1], $0xffff;
	[tilespmem:s24+$0x3DE0 ss:$0x42] =	vst.msk $0xffff, v63  }
0x73: {  	v53 =	vld.idx.msk [tilespmem:v1+s31+$0x40 ss:$0x1], $0xffff;
	[tilespmem:s24+$0x2100 ss:$0x42] =	vst.msk $0xffff, v48  }
0x74: {  	v54 =	vld.idx.msk [tilespmem:v1+s31+$0x50 ss:$0x1], $0xffff;
	[tilespmem:s24+$0x0 ss:$0x42] =	vst.msk $0xffff, v49  }
0x75: {  	v55 =	vld.idx.msk [tilespmem:v1+s31+$0x60 ss:$0x1], $0xffff;
	[tilespmem:s24+$0x420 ss:$0x42] =	vst.msk $0xffff, v50  }
0x76: {  	v56 =	vld.idx.msk [tilespmem:v1+s31+$0x70 ss:$0x1], $0xffff;
	[tilespmem:s24+$0x840 ss:$0x42] =	vst.msk $0xffff, v51  }
.Ltmp4:
0x77: {  	[tilespmem:s24+$0xC60 ss:$0x42] =	vst.msk $0xffff, v52;
	(pc) =	sbr.rel @p1 .LBB1_3-.Ltmp4, $4  }
0x78: {  	[tilespmem:s24+$0x1080 ss:$0x42] =	vst.msk $0xffff, v53  }
0x79: {  	[tilespmem:s24+$0x14A0 ss:$0x42] =	vst.msk $0xffff, v54  }
0x7a: {  	[tilespmem:s24+$0x18C0 ss:$0x42] =	vst.msk $0xffff, v55  }
0x7b: {  	p2 =	por $0x0, $0x0;
	[tilespmem:s24+$0x1CE0 ss:$0x42] =	vst.msk $0xffff, v56;
	s24 =	simm.s32 $0x1  }
0x7c: {  	p1 =	sgt.s32 s9, $0x3CF90  }
0x7d: {  	s20 =	smov.u32 s9;
	s21 =	sshra.s32 s9, $0x1F;
	s22 =	smov.u32 s10  }
0x7e: {  	s23 =	sshra.s32 s10, $0x1F;
	s24 =	ssub.s32 $0x0, s11;
	s25 =	sshll.u32 s11, $0x4  }
0x7f: {  	s26 =	sshll.u32 s9, $0x5;
	s20 =	simm.s32 @!p1 $0x3CF90;
	p1 =	sgt.s32 s10, $0x60  }
0x80: {  	s27 =	sshrl.u32 s10, $0x3;
	s23 =	sand.u32 s23, s10;
	s22 =	simm.s32 @!p1 $0x60  }
0x81: {  	s21 =	sand.u32 s21, s9;
	s24 =	smin.u32 s11, s24;
	s22 =	ssub.s32 s22, s23  }
0x82: {  	s20 =	ssub.s32 s20, s21;
	p1 =	sgt.s32 s24, $0x1;
	s31 =	sadd.s32 $0xFFFFFFA0, s22  }
0x83: {  	s23 =	ssub.s32 $0x2, s24;
	s21 =	ssub.s32 $0x80, s22;
	p2 =	sgt.s32 s31, $0x1F  }
0x84: {  	s24 =	sadd.s32 $0xFFFC3070, s20;
	s23 =	simm.s32 @p1 $0x0;
	s21 =	simm.s32 @p2 $0x0  }
0x85: {  	s20 =	ssub.s32 $0x3D090, s20;
	p1 =	sgt.s32 s24, $0xFF;
	s21 =	smul.u32 s23, s21  }
.Ltmp5:
0x86: {  	s22 =	sand.u32 $0x10, s25;
	s20 =	simm.s32 @p1 $0x0;
	(pc) =	sbr.rel .LBB1_7-.Ltmp5, $4  }
0x87: {  	s28 =	sand.u32 $0x7, s10;
	s22 =	sadd.s32 s5, s22;
	s20 =	smul.u32 s20, s21  }
0x88: {  	s29 =	sand.u32 $0xF, s27;
	s30 =	sshll.u32 s28, $0x12;
	s21 =	sadd.s32 s26, s22  }
0x89: {  	s31 =	sor.u32 $0x20, s30;
	s21 =	sadd.s32 s29, s21;
	s20 =	sand.u32 $0x3FFFFFFF, s20  }
0x8a: {  	[hbm4b:s21+s31] =	stream.strided.scatter [tilespmem:s19], [sflag:$0x2], s20, s8, s31, $0x10;
	[tilespmem:$0x10400] =	vst v63  }
.LBB1_8:
0x8b: {  	_ =	sfence.sel $0x180000  }
0x8c: {  	s2 =	simm.s32 $0x1;
	[bflag:$0x0] =	sbarrier.arrive $0xFFFF  }
0x8d: {  	s31 =	simm.s32 $0x2;
	[sflag:s2] =	ssyncpa.u1 $0x1  }
0x8e: {  	[sflag:s31] =	ssyncpa.u1 $0x1  }
0x8f: {  	p0 =	sne.s32 s1, $0x0;
	_ =	strace $0x9000004A  }
0x90: {  	s0 =	sadd.s32 @!p0 $0x100000, s0;
	[bflag:$0x2] =	sbarrier.arrive $0xFFFF  }
0x91: {  	[sflag:s0] =	ssyncadd.tile.s32 @!p0 $0x1;
	_ =	shalt  }
.Lfunc_end1:
_tile_overlayer_lowered:
.L_overlay_start_2:
0x92: {  	(tag) =	ssettag $0x2  }
0x93: {  	s0 =	rddreg [dreg:$0x0];
	s2 =	stileid.u32  }
0x94: {  	s1 =	rddreg [dreg:$0x1];
	p0 =	sne.s32 s2, $0x0  }
0x95: {  	s3 =	rddreg [dreg:$0x2];
	[bflag:$0x3] =	sbarrier.arrive $0xFFFF;
	s2 =	simm.s32 @!p0 $0x1C01  }
0x96: {  	[timem:s3], [sflag:s2] =	dma.local @!p0 [hbm:s0], s1  }
0x97: {  	s0 =	simm.s32 @!p0 $0x1  }
0x98: {  	_ =	swait.ge @!p0 [sflag:s0], s1  }
0x99: {  	s1 =	ssub.s32 @!p0 $0x0, s1;
	[sflag:s0] =	ssyncset.done @!p0 $0x0  }
0x9a: {  	[sflag:s0] =	ssyncadd.s32 @!p0 s1  }
0x9b: {  	[bflag:$0x3] =	sbarrier.arrive $0xFFFF  }
0x9c: {  	_ =	shalt  }

// kernel: sparse-core-data-format-call.cloned.1.call-start
scs
called_computation_lowered:
.L_overlay_start_0:
0x0: {  	s2 =	sld [smem:$0x3FD9]  }
0x1: {  	s3 =	sld [smem:$0x3FFE];
	_ =	sdelay $0x1  }
0x2: {  	s1 =	srdreg.scid  }
0x3: {  	s0 =	sand.u32 $0x1, s1  }
0x4: {  	s18 =	sshll.u32 s0, $0xA;
	s2 =	sadd.s32 s3, s2  }
0x5: {  	s2 =	sadd.s32 s2, s18  }
0x6: {  	[smem:$0x3FBD] =	sst s2  }
0x7: {  	_ = 	snop  }
0x8: {  	s2 =	sld [smem:$0x3FD0];
	(tm) =	ssettm $0x1  }
0x9: {  	s19 =	sld [smem:$0x3FFB];
	_ =	sdelay $0x3  }
0xa: {  	_ =	strace s19  }
0xb: {  	s3 =	sld [smem:$0x3FFC];
	_ =	sdelay $0x3  }
0xc: {  	_ =	strace s3  }
0xd: {  	s3 =	sld [smem:$0x3FFD];
	_ =	sdelay $0x3  }
0xe: {  	_ =	strace s3  }
0xf: {  	_ =	strace $0x8FFFFFFF  }
0x10: {  	s20 =	sld [smem:$0x3FDB];
	_ =	sdelay $0x1  }
0x11: {  	s4 =	simm.s32 $_scs_section_size  }
0x12: {  	s5 =	simm.s32 $_size__tile_overlayer_lowered;
	s6 =	simm.s32 $_tile_overlayer_lowered  }
0x13: {  	s23 =	simm.s32 $0x1BFF;
	s22 =	sshll.u32 s6, $0x1;
	s3 =	sadd.s32 s4, s20  }
0x14: {  	s7 =	simm.s32 $0x0;
	s21 =	sshll.u32 s5, $0x1;
	s5 =	sadd.s32 s22, s3  }
0x15: {  	[timem:s7], [sflag:s23] =	dma.local [hbm:s5], s21  }
0x16: {  	_ =	swait.ge [sflag:s23], s21  }
0x17: {  	s4 =	ssub.s32 $0x0, s21;
	[sflag:s23] =	ssyncset.done $0x0  }
0x18: {  	[sflag:s23] =	ssyncadd.s32 s4;
	_ =	sdelay $0x1  }
0x19: {  	s24 =	simm.s32 $0x1B8B  }
0x1a: {  	_ =	swait.ge [sflag:s24], $0x1  }
0x1b: {  	[sflag:s24] =	ssyncset.done $0x0  }
0x1c: {  	s26 =	simm.s32 $0x1B8E;
	s25 =	sld [smem:$0x3FFE];
	[sflag:s24] =	ssyncadd.s32 $0xFFFFFFFF  }
0x1d: {  	s27 =	simm.s32 $execute0_lowered;
	[smem:$0x3FD2] =	sst s26  }
0x1e: {  	s5 =	sshll.u32 s27, $0x1;
	_ =	strace $0x8000004C;
	[dreg:$0x1] =	wrdreg $0xFFFFFFFF  }
0x1f: {  	s28 =	simm.s32 $_size_execute0_lowered;
	s3 =	sadd.s32 s3, s5;
	[dreg:$0x0] =	wrdreg $0x0  }
0x20: {  	s5 =	sshll.u32 s28, $0x1;
	[dreg:$0x2] =	wrdreg s3  }
0x21: {  	[dreg:$0x3] =	wrdreg s5  }
0x22: {  	[dreg:$0x4] =	wrdreg $0xC0  }
0x23: {  	_ =	task [dreg:s7], $0x5FFFF  }
0x24: {  	[dreg:$0x1] =	wrdreg $0xFFFFFFFF  }
0x25: {  	[dreg:$0x0] =	wrdreg $0x60  }
0x26: {  	[dreg:$0x2] =	wrdreg s25  }
0x27: {  	[dreg:$0x3] =	wrdreg s2  }
0x28: {  	[dreg:$0x4] =	wrdreg $0x9  }
0x29: {  	_ =	task.clear_ibuf [dreg:s7], $0x5FFFF;
	_ =	strace $0x9000004C  }
0x2a: {  	s29 =	simm.s32 $0x9;
	_ =	strace $0x8000004E  }
0x2b: {  	_ =	swait.ge [sflag:s29], $0x1  }
0x2c: {  	[sflag:s29] =	ssyncadd.s32 $0xFFFFFFFF  }
0x2d: {  	_ =	strace $0x9000004E  }
0x2e: {  	_ =	sfence  }
0x2f: {  	s30 =	sld [smem:$0x0];
	_ =	sdelay $0x2  }
0x30: {  	s31 =	sshll.u32 s1, $0xD;
	s1 =	sshrl.u32 s1, $0x2  }
0x31: {  	s3 =	sand.u32 $0x4000, s31;
	s1 =	sadd.s32 s1, s30  }
0x32: {  	s0 =	sor.u32 s3, s0;
	s1 =	sshll.u32 s1, $0x11  }
0x33: {  	s0 =	sor.u32 s1, s0  }
0x34: {  	s0 =	sadd.s32 $0x8F2B, s0  }
0x35: {  	[sflag:s0] =	ssyncadd.remote.s32 $0x1  }
0x36: {  	_ =	sfence.sel $0xFFFF  }
0x37: {  	[dreg:$0x0] =	wrdreg $0xFFFFFFFF;
	(pc) =	sbr.abs _section_cstart, $3  }
0x38: {  	[dreg:$0x1] =	wrdreg $0xFFFFFFFF  }
0x39: {  	_ =	task.clear_ibuf [dreg:s7], $0x2FFFF;
	_ =	strace $0x9FFFFFFF  }
0x3a: {  	(tm) =	ssettm $0x7FFFFFFF  }
0x3b: {  	_ =	shalt  }
tec
execute0_lowered:
.L_overlay_start_1:
0x0: {  	(tag) =	ssettag $0x1  }
0x1: {  	s4 =	rddreg [dreg:$0x0]  }
0x2: {  	s0 =	srdreg.scid;
	s2 =	rddreg [dreg:$0x1]  }
0x3: {  	s1 =	stileid.u32;
	s5 =	simm.s32 $0x1;
	s0 =	sshll.u32 s0, $0x4  }
0x4: {  	s7 =	simm.s32 $0x2;
	s11 =	simm.s32 $0x0;
	s3 =	sand.u32 $0x10, s0  }
.Ltmp0:
0x5: {  	p0 =	por $0x0, $0x0;
	s3 =	sor.u32 s1, s3;
	(pc) =	sbr.rel .LBB1_1-.Ltmp0, $4  }
0x6: {  	s8 =	simm.s32 $0x3D0C00;
	s10 =	simm.s32 $0x0;
	s3 =	sshll.u32 s3, $0x7  }
0x7: {  	s0 =	rddreg [dreg:$0x2];
	_ =	strace $0x8000004D;
	s6 =	ssub.s32 $0x7A100, s3  }
0x8: {  	s4 =	sadd.s32 $0x1EC800, s4;
	[sflag:s5] =	ssyncpa.u1 $0x0;
	s6 =	sshrl.u32 s6, $0xC  }
0x9: {  	[sflag:s7] =	ssyncpa.u1 $0x0;
	s9 =	smov.u32 s3;
	s7 =	sadd.s32 $0x2, s6  }
.LBB1_5:
0xa: {  	s13 =	sadd.s32 $0x1000, s9  }
0xb: {  	p2 =	sgt.s32 s13, $0x7A11F  }
0xc: {  	s13 =	smov.u32 @p2 s3;
	p2 =	sne.s32 s10, s7  }
.Ltmp1:
0xd: {  	p1 =	slt.u32 s10, $0x2;
	(pc) =	sbr.rel @!p2 .LBB1_6-.Ltmp1, $4  }
0xe: {  	s12 =	simm.s32 @!p1 $0x2  }
0xf: {  	s14 =	sadd.s32 $0x1, s10;
	_ =	swait.ge @!p1 [sflag:s12], $0x1000  }
0x10: {  	s11 =	smov.u32 s9;
	p0 =	por !p0, !p0;
	[sflag:s12] =	ssyncset.done @!p1 $0x0  }
0x11: {  	s10 =	smov.u32 s14;
	s9 =	smov.u32 s13;
	[sflag:s12] =	ssyncadd.s32 @!p1 $0xFFFFF000  }
.LBB1_1:
0x12: {  	p1 =	sgt.u32 s10, s6  }
0x13: {  	s13 =	smov.u32 s9;
	p2 =	sgt.s32 @!p1 s9, $0x7A0A0  }
0x14: {  	s12 =	sand.u32 @!p1 $0x1FFFFFF, s9;
	s14 =	sshra.s32 @!p1 s9, $0x1F;
	p2 =	por !p2, p1  }
0x15: {  	s15 =	smulhi.u32 @!p1 $0x218DEF5, s12;
	s14 =	sand.u32 @!p1 s14, s9;
	s13 =	simm.s32 @p2 $0x7A0A0  }
0x16: {  	s13 =	ssub.s32 @!p1 s13, s14  }
0x17: {  	s14 =	sshrl.u32 @!p1 s15, $0xC;
	s13 =	sadd.s32 @!p1 $0xFFF85F60, s13  }
0x18: {  	s15 =	sxor.u32 @!p1 $0xFFFFFFFF, s10;
	s14 =	smul.u32 @!p1 $0x7A120, s14;
	s16 =	sshll.u32 @!p1 s13, $0x7  }
0x19: {  	s15 =	sshll.u32 @!p1 s15, $0xC;
	p2 =	sgt.s32 @!p1 s13, $0x7F;
	s13 =	ssub.s32 @!p1 $0x4000, s16  }
0x1a: {  	s12 =	ssub.s32 @!p1 s12, s14;
	p2 =	por !p2, p1;
	s14 =	sand.u32 @!p1 $0x1000, s15  }
0x1b: {  	s15 =	simm.s32 @!p1 $0x20;
	s13 =	sshrl.u32 @!p1 s13, $0x2;
	s12 =	sshll.u32 @!p1 s12, $0x4  }
0x1c: {  	s16 =	simm.s32 @!p1 $0x80;
	s13 =	simm.s32 @!p2 $0x0;
	s12 =	sadd.s32 @!p1 s4, s12  }
0x1d: {  	[tilespmem:s14], [sflag:$0x1] =	stream.strided.gather @!p1 [hbm4b:s12+s15], s13, s16, s15, $0x38;
	[tilespmem:$0x4040] =	vst v63  }
0x1e: {  	p1 =	seq.s32 s10, $0x0  }
0x1f: {  	p2 =	sge.u32 @!p1 s10, s7  }
0x20: {  	p1 =	por p1, p2  }
.Ltmp2:
0x21: {  	_ = 	snop;
	(pc) =	sbr.rel @p1 .LBB1_5-.Ltmp2, $1  }
0x22: {  	_ =	sdelay $0x3  }
0x23: {  	p1 =	sgt.s32 s11, $0x7A0A0;
	s12 =	smov.u32 s11;
	s13 =	sshra.s32 s11, $0x1F  }
0x24: {  	s12 =	simm.s32 @!p1 $0x7A0A0;
	s13 =	sand.u32 s13, s11  }
0x25: {  	s12 =	ssub.s32 s12, s13  }
0x26: {  	s12 =	sadd.s32 $0xFFF85F60, s12  }
0x27: {  	s28 =	sshll.u32 s12, $0x7  }
0x28: {  	s13 =	ssub.s32 $0x4000, s28  }
0x29: {  	p1 =	sgt.s32 s12, $0x7F;
	s12 =	sshrl.u32 s13, $0x2  }
0x2a: {  	s13 =	simm.s32 $0x1;
	s12 =	simm.s32 @p1 $0x0  }
0x2b: {  	s13 =	simm.s32 @!p0 $0x0;
	_ =	swait.ge [sflag:s5], s12  }
0x2c: {  	s14 =	sshll.u32 s13, $0xC;
	s12 =	ssub.s32 $0x0, s12;
	[sflag:s5] =	ssyncset.done $0x0  }
0x2d: {  	s16 =	sor.u32 $0x10, s14;
	[sflag:s5] =	ssyncadd.s32 s12  }
0x2e: {  	s29 =	smul.u32 $0x4080, s13;
	v1 =	vld [tilespmem:s16+$0x0]  }
0x2f: {  	s30 =	sand.u32 $0x1, s10;
	v0 =	vld [tilespmem:s16+$0xFFFFFFF0]  }
0x30: {  	s13 =	smul.u32 $0x4080, s30;
	s12 =	sshrl.u32 s29, $0x2  }
0x31: {  	s14 =	sor.u32 $0x2000, s12  }
0x32: {  	s31 =	sshrl.u32 s13, $0x2;
	s13 =	sadd.s32 $0x0, s14  }
0x33: {  	s15 =	simm.s32 $0x4;
	s12 =	sor.u32 $0x2000, s31;
	s16 =	sadd.s32 $0x20, s16;
	[tilespmem:s13+$0x810 ss:$0x81] =	vst.msk $0xffff, v1  }
.LBB1_3:
0x34: {  	v1 =	vld [tilespmem:s16+$0x0];
	p1 =	sne.s32 s15, $0x1FC;
	[tilespmem:s13+$0x0 ss:$0x81] =	vst.msk $0xffff, v0;
	s13 =	smov.u32 s15;
	s15 =	sadd.s32 $0x4, s15  }
.Ltmp3:
0x35: {  	v0 =	vld [tilespmem:s16+$0xFFFFFFF0];
	(pc) =	sbr.rel @p1 .LBB1_3-.Ltmp3, $4  }
0x36: {  	_ = 	snop  }
0x37: {  	s13 =	sshra.s32 s13, $0x2  }
0x38: {  	s13 =	sadd.s32 s13, s14  }
0x39: {  	s16 =	sadd.s32 $0x20, s16;
	[tilespmem:s13+$0x810 ss:$0x81] =	vst.msk $0xffff, v1  }
0x3a: {  	s14 =	sshll.u32 s11, $0x3  }
0x3b: {  	s14 =	sand.u32 $0xFFFFFC00, s14  }
0x3c: {  	s15 =	sshrl.u32 s14, $0x7  }
0x3d: {  	s15 =	smulhi.u32 $0x10C6249, s15;
	_ =	sdelay $0x1  }
0x3e: {  	s15 =	sshrl.u32 s15, $0x4  }
0x3f: {  	s28 =	sand.u32 $0x7F, s11;
	s16 =	smul.u32 $0x7A180, s15  }
0x40: {  	s11 =	sor.u32 s28, s14  }
.Ltmp4:
0x41: {  	s29 =	sand.u32 $0x1F, s15;
	s11 =	ssub.s32 s11, s16;
	(pc) =	sbr.rel .LBB1_5-.Ltmp4, $4  }
0x42: {  	s14 =	smul.u32 $0xF430, s29;
	s30 =	sshrl.u32 s11, $0x3;
	s11 =	sand.u32 $0x7, s11  }
0x43: {  	s15 =	sadd.s32 s2, s30;
	s11 =	sshll.u32 s11, $0x12  }
0x44: {  	[tilespmem:s13+$0x0 ss:$0x81] =	vst.msk $0xffff, v0;
	s31 =	sadd.s32 s14, s15;
	s11 =	sor.u32 $0x400, s11  }
0x45: {  	[hbm4b:s31+s11] =	stream.strided.scatter [tilespmem:s12], [sflag:$0x2], $0x1000, s8, s11, $0x20;
	[tilespmem:$0x4040] =	vst v63  }
.LBB1_6:
0x46: {  	_ =	sfence.sel $0x180000  }
0x47: {  	s2 =	simm.s32 $0x1;
	[bflag:$0x0] =	sbarrier.arrive $0xFFFF  }
0x48: {  	s31 =	simm.s32 $0x2;
	[sflag:s2] =	ssyncpa.u1 $0x1  }
0x49: {  	[sflag:s31] =	ssyncpa.u1 $0x1  }
0x4a: {  	p0 =	sne.s32 s1, $0x0;
	_ =	strace $0x9000004D  }
0x4b: {  	s0 =	sadd.s32 @!p0 $0x100000, s0;
	[bflag:$0x2] =	sbarrier.arrive $0xFFFF  }
0x4c: {  	[sflag:s0] =	ssyncadd.tile.s32 @!p0 $0x1;
	_ =	shalt  }
.Lfunc_end1:
_tile_overlayer_lowered:
.L_overlay_start_2:
0x4d: {  	(tag) =	ssettag $0x2  }
0x4e: {  	s0 =	rddreg [dreg:$0x0];
	s2 =	stileid.u32  }
0x4f: {  	s1 =	rddreg [dreg:$0x1];
	p0 =	sne.s32 s2, $0x0  }
0x50: {  	s3 =	rddreg [dreg:$0x2];
	[bflag:$0x3] =	sbarrier.arrive $0xFFFF;
	s2 =	simm.s32 @!p0 $0x1C01  }
0x51: {  	[timem:s3], [sflag:s2] =	dma.local @!p0 [hbm:s0], s1  }
0x52: {  	s0 =	simm.s32 @!p0 $0x1  }
0x53: {  	_ =	swait.ge @!p0 [sflag:s0], s1  }
0x54: {  	s1 =	ssub.s32 @!p0 $0x0, s1;
	[sflag:s0] =	ssyncset.done @!p0 $0x0  }
0x55: {  	[sflag:s0] =	ssyncadd.s32 @!p0 s1  }
0x56: {  	[bflag:$0x3] =	sbarrier.arrive $0xFFFF  }
0x57: {  	_ =	shalt  }

</sc_bundles>
